<compile_context>
chip_gen: v7x
topology: tpu7x:2x2x1
jax: 0.10.2.dev20260603
libtpu: 0.0.44.dev20260713+nightly
codegen_flags: <defaults>
</compile_context>

<pallas_src>
import functools

import jax
import jax.numpy as jnp
from jax import lax
from jax.experimental import pallas as pl
from jax.experimental.pallas import tpu as pltpu
from jax.experimental.pallas import tpu_sc as plsc

N = 10000
E = 320000
H = 128
F = 128
G = 256

NC = 2
NS = 16
NW = NC * NS
CHUNK = 128
NCH = 2560
EPAD = NCH * CHUNK
CPT = NCH // NW
NSINK = 128
NPAD = N + NSINK
ZPT = 632
ZTAIL = NPAD - NS * ZPT
WPT = 624
WTAIL = N - NS * WPT
SHIFT = 14
MASK = (1 << SHIFT) - 1

_f32 = jnp.float32


def _edge_aggr_body(x_hbm, epk_hbm, zeros_hbm, out_hbm,
                    pbuf, sidx0, didx0, sidx1, didx1, rows0, rows1,
                    aggr, sem):
    cid = lax.axis_index("c")
    sid = lax.axis_index("s")
    wid = cid * NS + sid
    z0 = pl.multiple_of(sid * ZPT, 8)
    pltpu.sync_copy(zeros_hbm.at[pl.ds(z0, ZPT)], aggr.at[pl.ds(z0, ZPT)])

    @pl.when(sid == NS - 1)
    def _():
        pltpu.sync_copy(zeros_hbm.at[pl.ds(NS * ZPT, ZTAIL)],
                        aggr.at[pl.ds(NS * ZPT, ZTAIL)])

    nch = CPT
    cbase = pl.multiple_of(wid * CPT, 8)
    pltpu.sync_copy(epk_hbm.at[pl.ds(cbase, CPT)], pbuf)

    def unpack(c, sidx, didx):
        def step(t, carry):
            k = t * 16
            v = pbuf[c, pl.ds(k, 16)]
            sidx[pl.ds(k, 16)] = lax.bitwise_and(v, MASK)
            didx[pl.ds(k, 16)] = lax.shift_right_logical(v, SHIFT)
            return carry

        lax.fori_loop(0, CHUNK // 16, step, 0)

    plsc.subcore_barrier()

    unpack(0, sidx0, didx0)
    pltpu.async_copy(x_hbm.at[sidx0], rows0, sem)

    def body(i, carry):
        j0 = i * 2
        j1 = j0 + 1
        unpack(j1, sidx1, didx1)
        pltpu.make_async_copy(x_hbm.at[sidx0], rows0, sem).wait()
        pltpu.async_copy(x_hbm.at[sidx1], rows1, sem)
        pltpu.sync_copy(rows0, aggr.at[didx0], add=True)
        unpack(jnp.minimum(j1 + 1, nch - 1), sidx0, didx0)
        pltpu.make_async_copy(x_hbm.at[sidx1], rows1, sem).wait()
        pltpu.async_copy(x_hbm.at[sidx0], rows0, sem)
        pltpu.sync_copy(rows1, aggr.at[didx1], add=True)
        return carry

    lax.fori_loop(0, nch // 2, body, 0)
    pltpu.make_async_copy(x_hbm.at[sidx0], rows0, sem).wait()

    plsc.subcore_barrier()
    w0 = pl.multiple_of(sid * WPT, 8)
    pltpu.sync_copy(aggr.at[pl.ds(w0, WPT)], out_hbm.at[cid, pl.ds(w0, WPT)])

    @pl.when(sid == NS - 1)
    def _():
        pltpu.sync_copy(aggr.at[pl.ds(NS * WPT, WTAIL)],
                        out_hbm.at[cid, pl.ds(NS * WPT, WTAIL)])


@functools.cache
def _edge_aggr_kernel():
    return pl.kernel(
        _edge_aggr_body,
        out_type=jax.ShapeDtypeStruct((NC, N, H), _f32),
        mesh=plsc.VectorSubcoreMesh(core_axis_name="c", subcore_axis_name="s",
                                    num_cores=NC, num_subcores=NS),
        scratch_types=[
            pltpu.VMEM((CPT, CHUNK), jnp.int32),
            pltpu.VMEM((CHUNK,), jnp.int32),
            pltpu.VMEM((CHUNK,), jnp.int32),
            pltpu.VMEM((CHUNK,), jnp.int32),
            pltpu.VMEM((CHUNK,), jnp.int32),
            pltpu.VMEM((CHUNK, H), _f32),
            pltpu.VMEM((CHUNK, H), _f32),
            pltpu.VMEM_SHARED((NPAD, H), _f32),
            pltpu.SemaphoreType.DMA,
        ],
    )


def _edge_aggr(x, epk, zeros):
    return _edge_aggr_kernel()(x, epk, zeros)


_RB = 1000
_NB = N // _RB


def _x0_body(z_ref, pos_ref, emb_ref, wpos_ref, bpos_ref, wt_ref, wb_ref,
             bc_ref, o_ref):
    zcol = z_ref[...]
    cols = lax.broadcasted_iota(jnp.int32, (_RB, 128), 1)
    onehot = (cols == zcol).astype(_f32)
    atom = jnp.dot(onehot, emb_ref[...],
                   preferred_element_type=_f32,
                   precision=lax.Precision.HIGHEST)
    pe = jnp.dot(pos_ref[...], wpos_ref[...],
                 preferred_element_type=_f32) + bpos_ref[...]
    acc = jnp.dot(atom, wt_ref[...], preferred_element_type=_f32)
    acc += jnp.dot(pe, wb_ref[...], preferred_element_type=_f32)
    o_ref[...] = jnp.maximum(acc + bc_ref[...], 0.0)


def _x0_call(z2, pos8, emb_pad, wpos8, bpos2, wt, wb, bc2):
    return pl.pallas_call(
        _x0_body,
        grid=(_NB,),
        in_specs=[
            pl.BlockSpec((_RB, 1), lambda i: (i, 0)),
            pl.BlockSpec((_RB, 8), lambda i: (i, 0)),
            pl.BlockSpec((128, H), lambda i: (0, 0)),
            pl.BlockSpec((8, H), lambda i: (0, 0)),
            pl.BlockSpec((1, H), lambda i: (0, 0)),
            pl.BlockSpec((H, H), lambda i: (0, 0)),
            pl.BlockSpec((H, H), lambda i: (0, 0)),
            pl.BlockSpec((1, H), lambda i: (0, 0)),
        ],
        out_specs=pl.BlockSpec((_RB, H), lambda i: (i, 0)),
        out_shape=jax.ShapeDtypeStruct((N, H), _f32),
    )(z2, pos8, emb_pad, wpos8, bpos2, wt, wb, bc2)


def _mlp_body(x_ref, p_ref, w1_ref, b1_ref, w2_ref, b2_ref, o_ref, *,
              final_relu):
    h = x_ref[...] + p_ref[0] + p_ref[1]
    h = jnp.maximum(
        jnp.dot(h, w1_ref[...], preferred_element_type=_f32) + b1_ref[...],
        0.0)
    o = jnp.dot(h, w2_ref[...], preferred_element_type=_f32) + b2_ref[...]
    if final_relu:
        o = jnp.maximum(o, 0.0)
    o_ref[...] = o


def _mlp_call(x, parts, w1, b12, w2, b22, final_relu):
    return pl.pallas_call(
        functools.partial(_mlp_body, final_relu=final_relu),
        grid=(_NB,),
        in_specs=[
            pl.BlockSpec((_RB, H), lambda i: (i, 0)),
            pl.BlockSpec((NC, _RB, H), lambda i: (0, i, 0)),
            pl.BlockSpec((H, H), lambda i: (0, 0)),
            pl.BlockSpec((1, H), lambda i: (0, 0)),
            pl.BlockSpec((H, H), lambda i: (0, 0)),
            pl.BlockSpec((1, H), lambda i: (0, 0)),
        ],
        out_specs=pl.BlockSpec((_RB, H), lambda i: (i, 0)),
        out_shape=jax.ShapeDtypeStruct((N, H), _f32),
    )(x, parts, w1, b12, w2, b22)


def _pool_body(x_ref, b3_ref, wp1_ref, bp1_ref, wp2_ref, bp2_ref, o_ref,
               acc_ref):
    i = pl.program_id(0)

    @pl.when(i == 0)
    def _():
        acc_ref[...] = jnp.zeros_like(acc_ref)

    brow = b3_ref[0]
    rows = lax.broadcasted_iota(jnp.int32, (G, _RB), 0)
    oh = (rows == brow).astype(_f32)
    acc_ref[...] += jnp.dot(oh, x_ref[...], preferred_element_type=_f32,
                            precision=lax.Precision.HIGHEST)

    @pl.when(i == _NB - 1)
    def _():
        g = acc_ref[...]
        h = jnp.maximum(
            jnp.dot(g, wp1_ref[...], preferred_element_type=_f32)
            + bp1_ref[...], 0.0)
        o_ref[...] = jnp.dot(h, wp2_ref[...], preferred_element_type=_f32
                             ) + bp2_ref[...]


def _pool_call(x, batch3, wp1, bp12, wp2pad, bp2pad):
    return pl.pallas_call(
        _pool_body,
        grid=(_NB,),
        in_specs=[
            pl.BlockSpec((_RB, H), lambda i: (i, 0)),
            pl.BlockSpec((1, 1, _RB), lambda i: (i, 0, 0)),
            pl.BlockSpec((F, F), lambda i: (0, 0)),
            pl.BlockSpec((1, F), lambda i: (0, 0)),
            pl.BlockSpec((F, F), lambda i: (0, 0)),
            pl.BlockSpec((1, F), lambda i: (0, 0)),
        ],
        out_specs=pl.BlockSpec((G, F), lambda i: (0, 0)),
        out_shape=jax.ShapeDtypeStruct((G, F), _f32),
        scratch_shapes=[pltpu.VMEM((G, F), _f32)],
    )(x, batch3, wp1, bp12, wp2pad, bp2pad)


def kernel(z, pos, edge_index, batch, embed, W_pos, b_pos, W_comb, b_comb,
           gin0_W1, gin0_b1, gin0_W2, gin0_b2,
           gin1_W1, gin1_b1, gin1_W2, gin1_b2,
           gin2_W1, gin2_b1, gin2_W2, gin2_b2,
           Wp1, bp1, Wp2, bp2):
    src = edge_index[0].astype(jnp.int32)
    dst = edge_index[1].astype(jnp.int32)
    pad = EPAD - E
    packed = jnp.left_shift(dst, SHIFT) | src
    t = jnp.arange(pad, dtype=jnp.int32)
    pad_packed = jnp.left_shift(N + (t % NSINK), SHIFT) | (t % N)
    epk = jnp.concatenate([packed, pad_packed]).reshape(NCH, CHUNK)
    z2 = z.astype(jnp.int32).reshape(N, 1)
    pos8 = jnp.pad(pos, ((0, 0), (0, 8 - pos.shape[1])))
    emb_pad = jnp.pad(embed, ((0, 128 - embed.shape[0]), (0, 0)))
    wpos8 = jnp.pad(W_pos, ((0, 8 - W_pos.shape[0]), (0, 0)))
    zeros = jnp.zeros((NPAD, H), _f32)
    batch3 = batch.astype(jnp.int32).reshape(_NB, 1, _RB)
    wp2pad = jnp.pad(Wp2, ((0, 0), (0, F - Wp2.shape[1])))
    bp2pad = jnp.pad(bp2, ((0, F - bp2.shape[0]),)).reshape(1, F)

    x = _x0_call(z2, pos8, emb_pad, wpos8, b_pos.reshape(1, H),
                 W_comb[:H], W_comb[H:], b_comb.reshape(1, H))

    gin = [(gin0_W1, gin0_b1, gin0_W2, gin0_b2),
           (gin1_W1, gin1_b1, gin1_W2, gin1_b2),
           (gin2_W1, gin2_b1, gin2_W2, gin2_b2)]
    for l, (w1, b1, w2, b2) in enumerate(gin):
        parts = _edge_aggr(x, epk, zeros)
        x = _mlp_call(x, parts, w1, b1.reshape(1, H), w2, b2.reshape(1, H),
                      final_relu=(l < 2))

    out = _pool_call(x, batch3, Wp1, bp1.reshape(1, F), wp2pad, bp2pad)
    return out[:, :1]

# --- scband reference (transcript-rebuilt; emitter-appended) ---
"""Pipeline reference for scband-naive-euclidean-gnn-36773509988630 (READ-ONLY COPY).

The authoritative reference and input builder live on the scoring server;
editing this copy changes nothing except your own understanding.
"""

import jax, jax.numpy as jnp
import numpy as np

N = 10000
E = 320000
H = 128
F = 128
L = 3
D = 3
G = 256

def setup_inputs(seed: int = 0) -> dict:
    key = jax.random.key(seed)
    ks = jax.random.split(key, 32)
    s = 0.05
    inp = {}
    inp["z"] = jax.random.randint(ks[0], (N,), 0, 100)
    inp["pos"] = jax.random.normal(ks[1], (N, D), dtype=jnp.float32)
    inp["edge_index"] = jax.random.randint(ks[2], (2, E), 0, N)
    inp["batch"] = jnp.sort(jax.random.randint(ks[3], (N,), 0, G))
    inp["embed"] = jax.random.normal(ks[4], (100, H), dtype=jnp.float32) * s
    inp["W_pos"] = jax.random.normal(ks[5], (D, H), dtype=jnp.float32) * s
    inp["b_pos"] = jnp.zeros((H,), dtype=jnp.float32)
    inp["W_comb"] = jax.random.normal(ks[6], (2 * H, H), dtype=jnp.float32) * s
    inp["b_comb"] = jnp.zeros((H,), dtype=jnp.float32)
    for l in range(L):
        d_in = H
        d_out = F if l == L - 1 else H
        inp["gin%d_W1" % l] = jax.random.normal(ks[7 + 4 * l], (d_in, d_out), dtype=jnp.float32) * s
        inp["gin%d_b1" % l] = jnp.zeros((d_out,), dtype=jnp.float32)
        inp["gin%d_W2" % l] = jax.random.normal(ks[8 + 4 * l], (d_out, d_out), dtype=jnp.float32) * s
        inp["gin%d_b2" % l] = jnp.zeros((d_out,), dtype=jnp.float32)
    inp["Wp1"] = jax.random.normal(ks[24], (F, F), dtype=jnp.float32) * s
    inp["bp1"] = jnp.zeros((F,), dtype=jnp.float32)
    inp["Wp2"] = jax.random.normal(ks[25], (F, 1), dtype=jnp.float32) * s
    inp["bp2"] = jnp.zeros((1,), dtype=jnp.float32)
    return inp

def reference(z, pos, edge_index, batch, embed, W_pos, b_pos, W_comb, b_comb,
              gin0_W1, gin0_b1, gin0_W2, gin0_b2,
              gin1_W1, gin1_b1, gin1_W2, gin1_b2,
              gin2_W1, gin2_b1, gin2_W2, gin2_b2,
              Wp1, bp1, Wp2, bp2):
    # initial node embedding: atom-type embedding + positional linear embed, combined
    atom_embedding = jnp.take(embed, z, axis=0)
    pos_embedding = pos @ W_pos + b_pos
    x = jax.nn.relu(jnp.concatenate([atom_embedding, pos_embedding], axis=-1) @ W_comb + b_comb)
    src = edge_index[0]
    dst = edge_index[1]
    gin_params = [
        (gin0_W1, gin0_b1, gin0_W2, gin0_b2),
        (gin1_W1, gin1_b1, gin1_W2, gin1_b2),
        (gin2_W1, gin2_b1, gin2_W2, gin2_b2),
    ]
    eps = 0.0
    for l, (W1, b1, W2, b2) in enumerate(gin_params):
        # GINConv: nn((1+eps)*x_i + sum_{j in N(i)} x_j), flow source->target
        msg = jnp.take(x, src, axis=0)
        aggr = jax.ops.segment_sum(msg, dst, num_segments=N)
        h = (1.0 + eps) * x + aggr
        h = jax.nn.relu(h @ W1 + b1)
        x = h @ W2 + b2
        if l < L - 1:
            x = jax.nn.relu(x)
    # SumAggregation over graphs
    g = jax.ops.segment_sum(x, batch, num_segments=G)
    out = jax.nn.relu(g @ Wp1 + bp1) @ Wp2 + bp2
    return out

if __name__ == "__main__":
    import jax
    _d = setup_inputs()
    print(jax.jit(kernel)(*tuple(_d.values())))

</pallas_src>

<mosaic_0001>
#map = affine_map<(d0, d1) -> (0, 0)>
#map1 = affine_map<(d0, d1) -> (0, 0, 0)>
module attributes {stable_mosaic.version = 14 : i64} {
  func.func @_edge_aggr_body(%arg0: i32, %arg1: i32, %arg2: memref<10000x128xf32, #tpu.memory_space<hbm>>, %arg3: memref<2560x128xi32, #tpu.memory_space<hbm>>, %arg4: memref<10128x128xf32, #tpu.memory_space<hbm>>, %arg5: memref<2x10000x128xf32, #tpu.memory_space<hbm>>, %arg6: memref<80x128xi32, #tpu.memory_space<vmem>>, %arg7: memref<128xi32, #tpu.memory_space<vmem>>, %arg8: memref<128xi32, #tpu.memory_space<vmem>>, %arg9: memref<128xi32, #tpu.memory_space<vmem>>, %arg10: memref<128xi32, #tpu.memory_space<vmem>>, %arg11: memref<128x128xf32, #tpu.memory_space<vmem>>, %arg12: memref<128x128xf32, #tpu.memory_space<vmem>>, %arg13: memref<10128x128xf32, #tpu.memory_space<vmem_shared>>, %arg14: memref<!tpu.dma_semaphore, #tpu.memory_space<semaphore_mem>>) attributes {dimension_semantics = [#tpu.dimension_semantics<core_parallel>, #tpu.dimension_semantics<subcore_parallel>], iteration_bounds = array<i64: 2, 16>, scalar_prefetch = 0 : i64, scratch_operands = 9 : i64, tpu.core_type = #tpu.core_type<sc_vector_subcore>, window_params = [{transform_indices = #map}, {transform_indices = #map}, {transform_indices = #map}, {transform_indices = #map1}]} {
    %mul3A = arith.constant 16 : i32
    %mul3A_0 = arith.muli %arg0, %mul3A : i32
    %add3A = arith.addi %mul3A_0, %arg1 : i32
    %mul3A_1 = arith.constant 632 : i32
    %mul3A_2 = arith.muli %arg1, %mul3A_1 : i32
    %multiple_of3A = tpu.assume_multiple %mul3A_2, 8 : i32
    "tpu.region"() ({
      %run_scoped3A = tpu.sem_alloc : memref<!tpu.dma_semaphore, #tpu.memory_space<semaphore_mem>>
      %dma_start3A_32 = arith.constant 0 : i32
      %dma_start3A_33 = tpu.memref_slice %arg13[%multiple_of3A, %dma_start3A_32] : memref<10128x128xf32, #tpu.memory_space<vmem_shared>> -> memref<632x128xf32, #tpu.memory_space<vmem_shared>>
      %dma_start3A_34 = arith.constant 0 : i32
      %dma_start3A_35 = tpu.memref_slice %arg4[%multiple_of3A, %dma_start3A_34] : memref<10128x128xf32, #tpu.memory_space<hbm>> -> memref<632x128xf32, #tpu.memory_space<hbm>>
      tpu.enqueue_dma source(%dma_start3A_35 : memref<632x128xf32, #tpu.memory_space<hbm>>) target(%dma_start3A_33 : memref<632x128xf32, #tpu.memory_space<vmem_shared>>) target_semaphore(%run_scoped3A : memref<!tpu.dma_semaphore, #tpu.memory_space<semaphore_mem>>)
      %dma_wait3A_36 = arith.constant 0 : i32
      %dma_wait3A_37 = tpu.memref_slice %arg13[%multiple_of3A, %dma_wait3A_36] : memref<10128x128xf32, #tpu.memory_space<vmem_shared>> -> memref<632x128xf32, #tpu.memory_space<vmem_shared>>
      %dma_wait3A_38 = arith.constant 0 : i32
      %dma_wait3A_39 = tpu.memref_slice %arg4[%multiple_of3A, %dma_wait3A_38] : memref<10128x128xf32, #tpu.memory_space<hbm>> -> memref<632x128xf32, #tpu.memory_space<hbm>>
      tpu.wait_dma2 semaphore(%run_scoped3A : memref<!tpu.dma_semaphore, #tpu.memory_space<semaphore_mem>>) src(%dma_wait3A_39 : memref<632x128xf32, #tpu.memory_space<hbm>>) dst(%dma_wait3A_37 : memref<632x128xf32, #tpu.memory_space<vmem_shared>>)
      tpu.yield
    }) : () -> ()
    %eq3A = arith.constant 15 : i32
    %eq3A_3 = arith.cmpi eq, %arg1, %eq3A : i32
    %convert_element_type3A = arith.extui %eq3A_3 : i1 to i32
    %cond3A = arith.constant 0 : i32
    %cond3A_4 = arith.cmpi ne, %convert_element_type3A, %cond3A : i32
    scf.if %cond3A_4 {
      "tpu.region"() ({
        %run_scoped3A = tpu.sem_alloc : memref<!tpu.dma_semaphore, #tpu.memory_space<semaphore_mem>>
        %dma_start3A_32 = arith.constant 10112 : i32
        %dma_start3A_33 = arith.constant 0 : i32
        %dma_start3A_34 = tpu.memref_slice %arg13[%dma_start3A_32, %dma_start3A_33] : memref<10128x128xf32, #tpu.memory_space<vmem_shared>> -> memref<16x128xf32, #tpu.memory_space<vmem_shared>>
        %dma_start3A_35 = arith.constant 10112 : i32
        %dma_start3A_36 = arith.constant 0 : i32
        %dma_start3A_37 = tpu.memref_slice %arg4[%dma_start3A_35, %dma_start3A_36] : memref<10128x128xf32, #tpu.memory_space<hbm>> -> memref<16x128xf32, #tpu.memory_space<hbm>>
        tpu.enqueue_dma source(%dma_start3A_37 : memref<16x128xf32, #tpu.memory_space<hbm>>) target(%dma_start3A_34 : memref<16x128xf32, #tpu.memory_space<vmem_shared>>) target_semaphore(%run_scoped3A : memref<!tpu.dma_semaphore, #tpu.memory_space<semaphore_mem>>)
        %dma_wait3A_38 = arith.constant 10112 : i32
        %dma_wait3A_39 = arith.constant 0 : i32
        %dma_wait3A_40 = tpu.memref_slice %arg13[%dma_wait3A_38, %dma_wait3A_39] : memref<10128x128xf32, #tpu.memory_space<vmem_shared>> -> memref<16x128xf32, #tpu.memory_space<vmem_shared>>
        %dma_wait3A_41 = arith.constant 10112 : i32
        %dma_wait3A_42 = arith.constant 0 : i32
        %dma_wait3A_43 = tpu.memref_slice %arg4[%dma_wait3A_41, %dma_wait3A_42] : memref<10128x128xf32, #tpu.memory_space<hbm>> -> memref<16x128xf32, #tpu.memory_space<hbm>>
        tpu.wait_dma2 semaphore(%run_scoped3A : memref<!tpu.dma_semaphore, #tpu.memory_space<semaphore_mem>>) src(%dma_wait3A_43 : memref<16x128xf32, #tpu.memory_space<hbm>>) dst(%dma_wait3A_40 : memref<16x128xf32, #tpu.memory_space<vmem_shared>>)
        tpu.yield
      }) : () -> ()
    } else {
    }
    %mul3A_5 = arith.constant 80 : i32
    %mul3A_6 = arith.muli %add3A, %mul3A_5 : i32
    %multiple_of3A_7 = tpu.assume_multiple %mul3A_6, 8 : i32
    "tpu.region"() ({
      %run_scoped3A = tpu.sem_alloc : memref<!tpu.dma_semaphore, #tpu.memory_space<semaphore_mem>>
      %dma_start3A_32 = arith.constant 0 : i32
      %dma_start3A_33 = tpu.memref_slice %arg3[%multiple_of3A_7, %dma_start3A_32] : memref<2560x128xi32, #tpu.memory_space<hbm>> -> memref<80x128xi32, #tpu.memory_space<hbm>>
      %dma_start3A_34 = arith.constant 0 : i32
      %dma_start3A_35 = tpu.memref_slice %arg3[%multiple_of3A_7, %dma_start3A_34] : memref<2560x128xi32, #tpu.memory_space<hbm>> -> memref<80x128xi32, #tpu.memory_space<hbm>>
      tpu.enqueue_dma source(%dma_start3A_35 : memref<80x128xi32, #tpu.memory_space<hbm>>) target(%arg6 : memref<80x128xi32, #tpu.memory_space<vmem>>) target_semaphore(%run_scoped3A : memref<!tpu.dma_semaphore, #tpu.memory_space<semaphore_mem>>)
      %dma_wait3A_36 = arith.constant 0 : i32
      %dma_wait3A_37 = tpu.memref_slice %arg3[%multiple_of3A_7, %dma_wait3A_36] : memref<2560x128xi32, #tpu.memory_space<hbm>> -> memref<80x128xi32, #tpu.memory_space<hbm>>
      %dma_wait3A_38 = arith.constant 0 : i32
      %dma_wait3A_39 = tpu.memref_slice %arg3[%multiple_of3A_7, %dma_wait3A_38] : memref<2560x128xi32, #tpu.memory_space<hbm>> -> memref<80x128xi32, #tpu.memory_space<hbm>>
      tpu.wait_dma2 semaphore(%run_scoped3A : memref<!tpu.dma_semaphore, #tpu.memory_space<semaphore_mem>>) src(%dma_wait3A_39 : memref<80x128xi32, #tpu.memory_space<hbm>>) dst(%arg6 : memref<80x128xi32, #tpu.memory_space<vmem>>)
      tpu.yield
    }) : () -> ()
    %barrier3A = arith.constant 0 : index
    tpu.barrier barrier_id(%barrier3A)
    %scan3A = arith.constant 0 : i32
    %scan3A_8 = arith.constant 0 : i32
    %scan3A_9 = arith.constant 8 : i32
    %scan3A_10 = arith.addi %scan3A_8, %scan3A_9 : i32
    %scan3A_11 = arith.constant 1 : i32
    scf.for %scan3A_32 = %scan3A_8 to %scan3A_10 step %scan3A_11  : i32 {
      %mul3A_33 = arith.constant 16 : i32
      %mul3A_34 = arith.muli %scan3A_32, %mul3A_33 : i32
      %get3A = arith.constant 0 : i32
      %get3A_35 = arith.index_cast %get3A : i32 to index
      %get3A_36 = arith.index_cast %mul3A_34 : i32 to index
      %get3A_37 = tpu.vector_load %arg6[%get3A_35, %get3A_36] {strides = array<i32>} : memref<80x128xi32, #tpu.memory_space<vmem>>, vector<1x16xi32>,
      %get3A_38 = vector.shape_cast %get3A_37 : vector<1x16xi32> to vector<16xi32>
      %and3A = arith.constant 16383 : i32
      %and3A_39 = vector.broadcast %and3A : i32 to vector<16xi32>
      %and3A_40 = arith.andi %get3A_38, %and3A_39 : vector<16xi32>
      %swap3A = arith.index_cast %mul3A_34 : i32 to index
      %swap3A_41 = tpu.vector_load %arg7[%swap3A] {strides = array<i32>} : memref<128xi32, #tpu.memory_space<vmem>>, vector<16xi32>,
      %swap3A_42 = vector.shape_cast %swap3A_41 : vector<16xi32> to vector<16xi32>
      %swap3A_43 = vector.shape_cast %and3A_40 : vector<16xi32> to vector<16xi32>
      tpu.vector_store %arg7[%swap3A], %swap3A_43 {strides = array<i32>} : memref<128xi32, #tpu.memory_space<vmem>>, vector<16xi32>,
      %shift_right_logical3A = arith.constant 14 : i32
      %shift_right_logical3A_44 = vector.broadcast %shift_right_logical3A : i32 to vector<16xi32>
      %shift_right_logical3A_45 = arith.shrui %get3A_38, %shift_right_logical3A_44 : vector<16xi32>
      %swap3A_46 = arith.index_cast %mul3A_34 : i32 to index
      %swap3A_47 = tpu.vector_load %arg8[%swap3A_46] {strides = array<i32>} : memref<128xi32, #tpu.memory_space<vmem>>, vector<16xi32>,
      %swap3A_48 = vector.shape_cast %swap3A_47 : vector<16xi32> to vector<16xi32>
      %swap3A_49 = vector.shape_cast %shift_right_logical3A_45 : vector<16xi32> to vector<16xi32>
      tpu.vector_store %arg8[%swap3A_46], %swap3A_49 {strides = array<i32>} : memref<128xi32, #tpu.memory_space<vmem>>, vector<16xi32>,
    }
    %scan3A_12 = arith.constant 8 : i32
    %dma_start3A = arith.constant 0 : i32
    %dma_start3A_13 = arith.constant 0 : i32
    %dma_start3A_14 = tpu.memref_slice %arg2[%dma_start3A, %dma_start3A_13] : memref<10000x128xf32, #tpu.memory_space<hbm>> -> memref<10000x128xf32, #tpu.memory_space<hbm>>
    tpu.enqueue_indirect_dma source(%dma_start3A_14 : memref<10000x128xf32, #tpu.memory_space<hbm>>) target(%arg11 : memref<128x128xf32, #tpu.memory_space<vmem>>) offsets(%arg7 : memref<128xi32, #tpu.memory_space<vmem>>) semaphore(%arg14 : memref<!tpu.dma_semaphore, #tpu.memory_space<semaphore_mem>>)
    %scan3A_15 = arith.constant 0 : i32
    %scan3A_16 = arith.constant 0 : i32
    %scan3A_17 = arith.constant 40 : i32
    %scan3A_18 = arith.addi %scan3A_16, %scan3A_17 : i32
    %scan3A_19 = arith.constant 1 : i32
    scf.for %scan3A_32 = %scan3A_16 to %scan3A_18 step %scan3A_19  : i32 {
      %mul3A_33 = arith.constant 2 : i32
      %mul3A_34 = arith.muli %scan3A_32, %mul3A_33 : i32
      %add3A_35 = arith.constant 1 : i32
      %add3A_36 = arith.addi %mul3A_34, %add3A_35 : i32
      %scan3A_37 = arith.constant 0 : i32
      %scan3A_38 = arith.constant 0 : i32
      %scan3A_39 = arith.constant 8 : i32
      %scan3A_40 = arith.addi %scan3A_38, %scan3A_39 : i32
      %scan3A_41 = arith.constant 1 : i32
      scf.for %scan3A_64 = %scan3A_38 to %scan3A_40 step %scan3A_41  : i32 {
        %mul3A_65 = arith.constant 16 : i32
        %mul3A_66 = arith.muli %scan3A_64, %mul3A_65 : i32
        %get3A = arith.index_cast %add3A_36 : i32 to index
        %get3A_67 = arith.index_cast %mul3A_66 : i32 to index
        %get3A_68 = tpu.vector_load %arg6[%get3A, %get3A_67] {strides = array<i32>} : memref<80x128xi32, #tpu.memory_space<vmem>>, vector<1x16xi32>,
        %get3A_69 = vector.shape_cast %get3A_68 : vector<1x16xi32> to vector<16xi32>
        %and3A = arith.constant 16383 : i32
        %and3A_70 = vector.broadcast %and3A : i32 to vector<16xi32>
        %and3A_71 = arith.andi %get3A_69, %and3A_70 : vector<16xi32>
        %swap3A = arith.index_cast %mul3A_66 : i32 to index
        %swap3A_72 = tpu.vector_load %arg9[%swap3A] {strides = array<i32>} : memref<128xi32, #tpu.memory_space<vmem>>, vector<16xi32>,
        %swap3A_73 = vector.shape_cast %swap3A_72 : vector<16xi32> to vector<16xi32>
        %swap3A_74 = vector.shape_cast %and3A_71 : vector<16xi32> to vector<16xi32>
        tpu.vector_store %arg9[%swap3A], %swap3A_74 {strides = array<i32>} : memref<128xi32, #tpu.memory_space<vmem>>, vector<16xi32>,
        %shift_right_logical3A = arith.constant 14 : i32
        %shift_right_logical3A_75 = vector.broadcast %shift_right_logical3A : i32 to vector<16xi32>
        %shift_right_logical3A_76 = arith.shrui %get3A_69, %shift_right_logical3A_75 : vector<16xi32>
        %swap3A_77 = arith.index_cast %mul3A_66 : i32 to index
        %swap3A_78 = tpu.vector_load %arg10[%swap3A_77] {strides = array<i32>} : memref<128xi32, #tpu.memory_space<vmem>>, vector<16xi32>,
        %swap3A_79 = vector.shape_cast %swap3A_78 : vector<16xi32> to vector<16xi32>
        %swap3A_80 = vector.shape_cast %shift_right_logical3A_76 : vector<16xi32> to vector<16xi32>
        tpu.vector_store %arg10[%swap3A_77], %swap3A_80 {strides = array<i32>} : memref<128xi32, #tpu.memory_space<vmem>>, vector<16xi32>,
      }
      %scan3A_42 = arith.constant 8 : i32
      %dma_wait3A_43 = arith.constant 0 : i32
      %dma_wait3A_44 = arith.constant 0 : i32
      %dma_wait3A_45 = tpu.memref_slice %arg2[%dma_wait3A_43, %dma_wait3A_44] : memref<10000x128xf32, #tpu.memory_space<hbm>> -> memref<10000x128xf32, #tpu.memory_space<hbm>>
      tpu.wait_indirect_dma semaphore(%arg14 : memref<!tpu.dma_semaphore, #tpu.memory_space<semaphore_mem>>) src(%dma_wait3A_45 : memref<10000x128xf32, #tpu.memory_space<hbm>>) dst(%arg11 : memref<128x128xf32, #tpu.memory_space<vmem>>)
      %dma_start3A_46 = arith.constant 0 : i32
      %dma_start3A_47 = arith.constant 0 : i32
      %dma_start3A_48 = tpu.memref_slice %arg2[%dma_start3A_46, %dma_start3A_47] : memref<10000x128xf32, #tpu.memory_space<hbm>> -> memref<10000x128xf32, #tpu.memory_space<hbm>>
      tpu.enqueue_indirect_dma source(%dma_start3A_48 : memref<10000x128xf32, #tpu.memory_space<hbm>>) target(%arg12 : memref<128x128xf32, #tpu.memory_space<vmem>>) offsets(%arg9 : memref<128xi32, #tpu.memory_space<vmem>>) semaphore(%arg14 : memref<!tpu.dma_semaphore, #tpu.memory_space<semaphore_mem>>)
      "tpu.region"() ({
        %run_scoped3A = tpu.sem_alloc : memref<!tpu.dma_semaphore, #tpu.memory_space<semaphore_mem>>
        %dma_start3A_64 = arith.constant 0 : i32
        %dma_start3A_65 = arith.constant 0 : i32
        %dma_start3A_66 = tpu.memref_slice %arg13[%dma_start3A_64, %dma_start3A_65] : memref<10128x128xf32, #tpu.memory_space<vmem_shared>> -> memref<10128x128xf32, #tpu.memory_space<vmem_shared>>
        tpu.enqueue_indirect_dma source(%arg11 : memref<128x128xf32, #tpu.memory_space<vmem>>) target(%dma_start3A_66 : memref<10128x128xf32, #tpu.memory_space<vmem_shared>>) offsets(%arg8 : memref<128xi32, #tpu.memory_space<vmem>>) semaphore(%run_scoped3A : memref<!tpu.dma_semaphore, #tpu.memory_space<semaphore_mem>>) {add = true}
        %dma_wait3A_67 = arith.constant 0 : i32
        %dma_wait3A_68 = arith.constant 0 : i32
        %dma_wait3A_69 = tpu.memref_slice %arg13[%dma_wait3A_67, %dma_wait3A_68] : memref<10128x128xf32, #tpu.memory_space<vmem_shared>> -> memref<10128x128xf32, #tpu.memory_space<vmem_shared>>
        tpu.wait_indirect_dma semaphore(%run_scoped3A : memref<!tpu.dma_semaphore, #tpu.memory_space<semaphore_mem>>) src(%arg11 : memref<128x128xf32, #tpu.memory_space<vmem>>) dst(%dma_wait3A_69 : memref<10128x128xf32, #tpu.memory_space<vmem_shared>>)
        tpu.yield
      }) : () -> ()
      %add3A_49 = arith.constant 1 : i32
      %add3A_50 = arith.addi %add3A_36, %add3A_49 : i32
      %min3A = arith.constant 79 : i32
      %min3A_51 = arith.minsi %add3A_50, %min3A : i32
      %scan3A_52 = arith.constant 0 : i32
      %scan3A_53 = arith.constant 0 : i32
      %scan3A_54 = arith.constant 8 : i32
      %scan3A_55 = arith.addi %scan3A_53, %scan3A_54 : i32
      %scan3A_56 = arith.constant 1 : i32
      scf.for %scan3A_64 = %scan3A_53 to %scan3A_55 step %scan3A_56  : i32 {
        %mul3A_65 = arith.constant 16 : i32
        %mul3A_66 = arith.muli %scan3A_64, %mul3A_65 : i32
        %get3A = arith.index_cast %min3A_51 : i32 to index
        %get3A_67 = arith.index_cast %mul3A_66 : i32 to index
        %get3A_68 = tpu.vector_load %arg6[%get3A, %get3A_67] {strides = array<i32>} : memref<80x128xi32, #tpu.memory_space<vmem>>, vector<1x16xi32>,
        %get3A_69 = vector.shape_cast %get3A_68 : vector<1x16xi32> to vector<16xi32>
        %and3A = arith.constant 16383 : i32
        %and3A_70 = vector.broadcast %and3A : i32 to vector<16xi32>
        %and3A_71 = arith.andi %get3A_69, %and3A_70 : vector<16xi32>
        %swap3A = arith.index_cast %mul3A_66 : i32 to index
        %swap3A_72 = tpu.vector_load %arg7[%swap3A] {strides = array<i32>} : memref<128xi32, #tpu.memory_space<vmem>>, vector<16xi32>,
        %swap3A_73 = vector.shape_cast %swap3A_72 : vector<16xi32> to vector<16xi32>
        %swap3A_74 = vector.shape_cast %and3A_71 : vector<16xi32> to vector<16xi32>
        tpu.vector_store %arg7[%swap3A], %swap3A_74 {strides = array<i32>} : memref<128xi32, #tpu.memory_space<vmem>>, vector<16xi32>,
        %shift_right_logical3A = arith.constant 14 : i32
        %shift_right_logical3A_75 = vector.broadcast %shift_right_logical3A : i32 to vector<16xi32>
        %shift_right_logical3A_76 = arith.shrui %get3A_69, %shift_right_logical3A_75 : vector<16xi32>
        %swap3A_77 = arith.index_cast %mul3A_66 : i32 to index
        %swap3A_78 = tpu.vector_load %arg8[%swap3A_77] {strides = array<i32>} : memref<128xi32, #tpu.memory_space<vmem>>, vector<16xi32>,
        %swap3A_79 = vector.shape_cast %swap3A_78 : vector<16xi32> to vector<16xi32>
        %swap3A_80 = vector.shape_cast %shift_right_logical3A_76 : vector<16xi32> to vector<16xi32>
        tpu.vector_store %arg8[%swap3A_77], %swap3A_80 {strides = array<i32>} : memref<128xi32, #tpu.memory_space<vmem>>, vector<16xi32>,
      }
      %scan3A_57 = arith.constant 8 : i32
      %dma_wait3A_58 = arith.constant 0 : i32
      %dma_wait3A_59 = arith.constant 0 : i32
      %dma_wait3A_60 = tpu.memref_slice %arg2[%dma_wait3A_58, %dma_wait3A_59] : memref<10000x128xf32, #tpu.memory_space<hbm>> -> memref<10000x128xf32, #tpu.memory_space<hbm>>
      tpu.wait_indirect_dma semaphore(%arg14 : memref<!tpu.dma_semaphore, #tpu.memory_space<semaphore_mem>>) src(%dma_wait3A_60 : memref<10000x128xf32, #tpu.memory_space<hbm>>) dst(%arg12 : memref<128x128xf32, #tpu.memory_space<vmem>>)
      %dma_start3A_61 = arith.constant 0 : i32
      %dma_start3A_62 = arith.constant 0 : i32
      %dma_start3A_63 = tpu.memref_slice %arg2[%dma_start3A_61, %dma_start3A_62] : memref<10000x128xf32, #tpu.memory_space<hbm>> -> memref<10000x128xf32, #tpu.memory_space<hbm>>
      tpu.enqueue_indirect_dma source(%dma_start3A_63 : memref<10000x128xf32, #tpu.memory_space<hbm>>) target(%arg11 : memref<128x128xf32, #tpu.memory_space<vmem>>) offsets(%arg7 : memref<128xi32, #tpu.memory_space<vmem>>) semaphore(%arg14 : memref<!tpu.dma_semaphore, #tpu.memory_space<semaphore_mem>>)
      "tpu.region"() ({
        %run_scoped3A = tpu.sem_alloc : memref<!tpu.dma_semaphore, #tpu.memory_space<semaphore_mem>>
        %dma_start3A_64 = arith.constant 0 : i32
        %dma_start3A_65 = arith.constant 0 : i32
        %dma_start3A_66 = tpu.memref_slice %arg13[%dma_start3A_64, %dma_start3A_65] : memref<10128x128xf32, #tpu.memory_space<vmem_shared>> -> memref<10128x128xf32, #tpu.memory_space<vmem_shared>>
        tpu.enqueue_indirect_dma source(%arg12 : memref<128x128xf32, #tpu.memory_space<vmem>>) target(%dma_start3A_66 : memref<10128x128xf32, #tpu.memory_space<vmem_shared>>) offsets(%arg10 : memref<128xi32, #tpu.memory_space<vmem>>) semaphore(%run_scoped3A : memref<!tpu.dma_semaphore, #tpu.memory_space<semaphore_mem>>) {add = true}
        %dma_wait3A_67 = arith.constant 0 : i32
        %dma_wait3A_68 = arith.constant 0 : i32
        %dma_wait3A_69 = tpu.memref_slice %arg13[%dma_wait3A_67, %dma_wait3A_68] : memref<10128x128xf32, #tpu.memory_space<vmem_shared>> -> memref<10128x128xf32, #tpu.memory_space<vmem_shared>>
        tpu.wait_indirect_dma semaphore(%run_scoped3A : memref<!tpu.dma_semaphore, #tpu.memory_space<semaphore_mem>>) src(%arg12 : memref<128x128xf32, #tpu.memory_space<vmem>>) dst(%dma_wait3A_69 : memref<10128x128xf32, #tpu.memory_space<vmem_shared>>)
        tpu.yield
      }) : () -> ()
    }
    %scan3A_20 = arith.constant 40 : i32
    %dma_wait3A = arith.constant 0 : i32
    %dma_wait3A_21 = arith.constant 0 : i32
    %dma_wait3A_22 = tpu.memref_slice %arg2[%dma_wait3A, %dma_wait3A_21] : memref<10000x128xf32, #tpu.memory_space<hbm>> -> memref<10000x128xf32, #tpu.memory_space<hbm>>
    tpu.wait_indirect_dma semaphore(%arg14 : memref<!tpu.dma_semaphore, #tpu.memory_space<semaphore_mem>>) src(%dma_wait3A_22 : memref<10000x128xf32, #tpu.memory_space<hbm>>) dst(%arg11 : memref<128x128xf32, #tpu.memory_space<vmem>>)
    %barrier3A_23 = arith.constant 0 : index
    tpu.barrier barrier_id(%barrier3A_23)
    %mul3A_24 = arith.constant 624 : i32
    %mul3A_25 = arith.muli %arg1, %mul3A_24 : i32
    %multiple_of3A_26 = tpu.assume_multiple %mul3A_25, 8 : i32
    "tpu.region"() ({
      %run_scoped3A = tpu.sem_alloc : memref<!tpu.dma_semaphore, #tpu.memory_space<semaphore_mem>>
      %dma_start3A_32 = arith.constant 0 : i32
      %dma_start3A_33 = tpu.memref_slice %arg5[%arg0, %multiple_of3A_26, %dma_start3A_32] : memref<2x10000x128xf32, #tpu.memory_space<hbm>> -> memref<1x624x128xf32, #tpu.memory_space<hbm>>
      %dma_start3A_34 = tpu.memref_squeeze %dma_start3A_33 : memref<1x624x128xf32, #tpu.memory_space<hbm>> -> memref<624x128xf32, #tpu.memory_space<hbm>>
      %dma_start3A_35 = arith.constant 0 : i32
      %dma_start3A_36 = tpu.memref_slice %arg13[%multiple_of3A_26, %dma_start3A_35] : memref<10128x128xf32, #tpu.memory_space<vmem_shared>> -> memref<624x128xf32, #tpu.memory_space<vmem_shared>>
      tpu.enqueue_dma source(%dma_start3A_36 : memref<624x128xf32, #tpu.memory_space<vmem_shared>>) target(%dma_start3A_34 : memref<624x128xf32, #tpu.memory_space<hbm>>) target_semaphore(%run_scoped3A : memref<!tpu.dma_semaphore, #tpu.memory_space<semaphore_mem>>)
      %dma_wait3A_37 = arith.constant 0 : i32
      %dma_wait3A_38 = tpu.memref_slice %arg5[%arg0, %multiple_of3A_26, %dma_wait3A_37] : memref<2x10000x128xf32, #tpu.memory_space<hbm>> -> memref<1x624x128xf32, #tpu.memory_space<hbm>>
      %dma_wait3A_39 = tpu.memref_squeeze %dma_wait3A_38 : memref<1x624x128xf32, #tpu.memory_space<hbm>> -> memref<624x128xf32, #tpu.memory_space<hbm>>
      %dma_wait3A_40 = arith.constant 0 : i32
      %dma_wait3A_41 = tpu.memref_slice %arg13[%multiple_of3A_26, %dma_wait3A_40] : memref<10128x128xf32, #tpu.memory_space<vmem_shared>> -> memref<624x128xf32, #tpu.memory_space<vmem_shared>>
      tpu.wait_dma2 semaphore(%run_scoped3A : memref<!tpu.dma_semaphore, #tpu.memory_space<semaphore_mem>>) src(%dma_wait3A_41 : memref<624x128xf32, #tpu.memory_space<vmem_shared>>) dst(%dma_wait3A_39 : memref<624x128xf32, #tpu.memory_space<hbm>>)
      tpu.yield
    }) : () -> ()
    %eq3A_27 = arith.constant 15 : i32
    %eq3A_28 = arith.cmpi eq, %arg1, %eq3A_27 : i32
    %convert_element_type3A_29 = arith.extui %eq3A_28 : i1 to i32
    %cond3A_30 = arith.constant 0 : i32
    %cond3A_31 = arith.cmpi ne, %convert_element_type3A_29, %cond3A_30 : i32
    scf.if %cond3A_31 {
      "tpu.region"() ({
        %run_scoped3A = tpu.sem_alloc : memref<!tpu.dma_semaphore, #tpu.memory_space<semaphore_mem>>
        %dma_start3A_32 = arith.constant 9984 : i32
        %dma_start3A_33 = arith.constant 0 : i32
        %dma_start3A_34 = tpu.memref_slice %arg5[%arg0, %dma_start3A_32, %dma_start3A_33] : memref<2x10000x128xf32, #tpu.memory_space<hbm>> -> memref<1x16x128xf32, #tpu.memory_space<hbm>>
        %dma_start3A_35 = tpu.memref_squeeze %dma_start3A_34 : memref<1x16x128xf32, #tpu.memory_space<hbm>> -> memref<16x128xf32, #tpu.memory_space<hbm>>
        %dma_start3A_36 = arith.constant 9984 : i32
        %dma_start3A_37 = arith.constant 0 : i32
        %dma_start3A_38 = tpu.memref_slice %arg13[%dma_start3A_36, %dma_start3A_37] : memref<10128x128xf32, #tpu.memory_space<vmem_shared>> -> memref<16x128xf32, #tpu.memory_space<vmem_shared>>
        tpu.enqueue_dma source(%dma_start3A_38 : memref<16x128xf32, #tpu.memory_space<vmem_shared>>) target(%dma_start3A_35 : memref<16x128xf32, #tpu.memory_space<hbm>>) target_semaphore(%run_scoped3A : memref<!tpu.dma_semaphore, #tpu.memory_space<semaphore_mem>>)
        %dma_wait3A_39 = arith.constant 9984 : i32
        %dma_wait3A_40 = arith.constant 0 : i32
        %dma_wait3A_41 = tpu.memref_slice %arg5[%arg0, %dma_wait3A_39, %dma_wait3A_40] : memref<2x10000x128xf32, #tpu.memory_space<hbm>> -> memref<1x16x128xf32, #tpu.memory_space<hbm>>
        %dma_wait3A_42 = tpu.memref_squeeze %dma_wait3A_41 : memref<1x16x128xf32, #tpu.memory_space<hbm>> -> memref<16x128xf32, #tpu.memory_space<hbm>>
        %dma_wait3A_43 = arith.constant 9984 : i32
        %dma_wait3A_44 = arith.constant 0 : i32
        %dma_wait3A_45 = tpu.memref_slice %arg13[%dma_wait3A_43, %dma_wait3A_44] : memref<10128x128xf32, #tpu.memory_space<vmem_shared>> -> memref<16x128xf32, #tpu.memory_space<vmem_shared>>
        tpu.wait_dma2 semaphore(%run_scoped3A : memref<!tpu.dma_semaphore, #tpu.memory_space<semaphore_mem>>) src(%dma_wait3A_45 : memref<16x128xf32, #tpu.memory_space<vmem_shared>>) dst(%dma_wait3A_42 : memref<16x128xf32, #tpu.memory_space<hbm>>)
        tpu.yield
      }) : () -> ()
    } else {
    }
    return
  }
}

#map = affine_map<(d0, d1) -> (0, 0)>
#map1 = affine_map<(d0, d1) -> (0, 0, 0)>
module attributes {stable_mosaic.version = 14 : i64} {
  func.func @_edge_aggr_body(%arg0: i32, %arg1: i32, %arg2: memref<10000x128xf32, #tpu.memory_space<hbm>>, %arg3: memref<2560x128xi32, #tpu.memory_space<hbm>>, %arg4: memref<10128x128xf32, #tpu.memory_space<hbm>>, %arg5: memref<2x10000x128xf32, #tpu.memory_space<hbm>>, %arg6: memref<80x128xi32, #tpu.memory_space<vmem>>, %arg7: memref<128xi32, #tpu.memory_space<vmem>>, %arg8: memref<128xi32, #tpu.memory_space<vmem>>, %arg9: memref<128xi32, #tpu.memory_space<vmem>>, %arg10: memref<128xi32, #tpu.memory_space<vmem>>, %arg11: memref<128x128xf32, #tpu.memory_space<vmem>>, %arg12: memref<128x128xf32, #tpu.memory_space<vmem>>, %arg13: memref<10128x128xf32, #tpu.memory_space<vmem_shared>>, %arg14: memref<!tpu.dma_semaphore, #tpu.memory_space<semaphore_mem>>) attributes {dimension_semantics = [#tpu.dimension_semantics<core_parallel>, #tpu.dimension_semantics<subcore_parallel>], iteration_bounds = array<i64: 2, 16>, scalar_prefetch = 0 : i64, scratch_operands = 9 : i64, tpu.core_type = #tpu.core_type<sc_vector_subcore>, window_params = [{transform_indices = #map}, {transform_indices = #map}, {transform_indices = #map}, {transform_indices = #map1}]} {
    %mul3A = arith.constant 16 : i32
    %mul3A_0 = arith.muli %arg0, %mul3A : i32
    %add3A = arith.addi %mul3A_0, %arg1 : i32
    %mul3A_1 = arith.constant 632 : i32
    %mul3A_2 = arith.muli %arg1, %mul3A_1 : i32
    %multiple_of3A = tpu.assume_multiple %mul3A_2, 8 : i32
    "tpu.region"() ({
      %run_scoped3A = tpu.sem_alloc : memref<!tpu.dma_semaphore, #tpu.memory_space<semaphore_mem>>
      %dma_start3A_32 = arith.constant 0 : i32
      %dma_start3A_33 = tpu.memref_slice %arg13[%multiple_of3A, %dma_start3A_32] : memref<10128x128xf32, #tpu.memory_space<vmem_shared>> -> memref<632x128xf32, #tpu.memory_space<vmem_shared>>
      %dma_start3A_34 = arith.constant 0 : i32
      %dma_start3A_35 = tpu.memref_slice %arg4[%multiple_of3A, %dma_start3A_34] : memref<10128x128xf32, #tpu.memory_space<hbm>> -> memref<632x128xf32, #tpu.memory_space<hbm>>
      tpu.enqueue_dma source(%dma_start3A_35 : memref<632x128xf32, #tpu.memory_space<hbm>>) target(%dma_start3A_33 : memref<632x128xf32, #tpu.memory_space<vmem_shared>>) target_semaphore(%run_scoped3A : memref<!tpu.dma_semaphore, #tpu.memory_space<semaphore_mem>>)
      %dma_wait3A_36 = arith.constant 0 : i32
      %dma_wait3A_37 = tpu.memref_slice %arg13[%multiple_of3A, %dma_wait3A_36] : memref<10128x128xf32, #tpu.memory_space<vmem_shared>> -> memref<632x128xf32, #tpu.memory_space<vmem_shared>>
      %dma_wait3A_38 = arith.constant 0 : i32
      %dma_wait3A_39 = tpu.memref_slice %arg4[%multiple_of3A, %dma_wait3A_38] : memref<10128x128xf32, #tpu.memory_space<hbm>> -> memref<632x128xf32, #tpu.memory_space<hbm>>
      tpu.wait_dma2 semaphore(%run_scoped3A : memref<!tpu.dma_semaphore, #tpu.memory_space<semaphore_mem>>) src(%dma_wait3A_39 : memref<632x128xf32, #tpu.memory_space<hbm>>) dst(%dma_wait3A_37 : memref<632x128xf32, #tpu.memory_space<vmem_shared>>)
      tpu.yield
    }) : () -> ()
    %eq3A = arith.constant 15 : i32
    %eq3A_3 = arith.cmpi eq, %arg1, %eq3A : i32
    %convert_element_type3A = arith.extui %eq3A_3 : i1 to i32
    %cond3A = arith.constant 0 : i32
    %cond3A_4 = arith.cmpi ne, %convert_element_type3A, %cond3A : i32
    scf.if %cond3A_4 {
      "tpu.region"() ({
        %run_scoped3A = tpu.sem_alloc : memref<!tpu.dma_semaphore, #tpu.memory_space<semaphore_mem>>
        %dma_start3A_32 = arith.constant 10112 : i32
        %dma_start3A_33 = arith.constant 0 : i32
        %dma_start3A_34 = tpu.memref_slice %arg13[%dma_start3A_32, %dma_start3A_33] : memref<10128x128xf32, #tpu.memory_space<vmem_shared>> -> memref<16x128xf32, #tpu.memory_space<vmem_shared>>
        %dma_start3A_35 = arith.constant 10112 : i32
        %dma_start3A_36 = arith.constant 0 : i32
        %dma_start3A_37 = tpu.memref_slice %arg4[%dma_start3A_35, %dma_start3A_36] : memref<10128x128xf32, #tpu.memory_space<hbm>> -> memref<16x128xf32, #tpu.memory_space<hbm>>
        tpu.enqueue_dma source(%dma_start3A_37 : memref<16x128xf32, #tpu.memory_space<hbm>>) target(%dma_start3A_34 : memref<16x128xf32, #tpu.memory_space<vmem_shared>>) target_semaphore(%run_scoped3A : memref<!tpu.dma_semaphore, #tpu.memory_space<semaphore_mem>>)
        %dma_wait3A_38 = arith.constant 10112 : i32
        %dma_wait3A_39 = arith.constant 0 : i32
        %dma_wait3A_40 = tpu.memref_slice %arg13[%dma_wait3A_38, %dma_wait3A_39] : memref<10128x128xf32, #tpu.memory_space<vmem_shared>> -> memref<16x128xf32, #tpu.memory_space<vmem_shared>>
        %dma_wait3A_41 = arith.constant 10112 : i32
        %dma_wait3A_42 = arith.constant 0 : i32
        %dma_wait3A_43 = tpu.memref_slice %arg4[%dma_wait3A_41, %dma_wait3A_42] : memref<10128x128xf32, #tpu.memory_space<hbm>> -> memref<16x128xf32, #tpu.memory_space<hbm>>
        tpu.wait_dma2 semaphore(%run_scoped3A : memref<!tpu.dma_semaphore, #tpu.memory_space<semaphore_mem>>) src(%dma_wait3A_43 : memref<16x128xf32, #tpu.memory_space<hbm>>) dst(%dma_wait3A_40 : memref<16x128xf32, #tpu.memory_space<vmem_shared>>)
        tpu.yield
      }) : () -> ()
    } else {
    }
    %mul3A_5 = arith.constant 80 : i32
    %mul3A_6 = arith.muli %add3A, %mul3A_5 : i32
    %multiple_of3A_7 = tpu.assume_multiple %mul3A_6, 8 : i32
    "tpu.region"() ({
      %run_scoped3A = tpu.sem_alloc : memref<!tpu.dma_semaphore, #tpu.memory_space<semaphore_mem>>
      %dma_start3A_32 = arith.constant 0 : i32
      %dma_start3A_33 = tpu.memref_slice %arg3[%multiple_of3A_7, %dma_start3A_32] : memref<2560x128xi32, #tpu.memory_space<hbm>> -> memref<80x128xi32, #tpu.memory_space<hbm>>
      %dma_start3A_34 = arith.constant 0 : i32
      %dma_start3A_35 = tpu.memref_slice %arg3[%multiple_of3A_7, %dma_start3A_34] : memref<2560x128xi32, #tpu.memory_space<hbm>> -> memref<80x128xi32, #tpu.memory_space<hbm>>
      tpu.enqueue_dma source(%dma_start3A_35 : memref<80x128xi32, #tpu.memory_space<hbm>>) target(%arg6 : memref<80x128xi32, #tpu.memory_space<vmem>>) target_semaphore(%run_scoped3A : memref<!tpu.dma_semaphore, #tpu.memory_space<semaphore_mem>>)
      %dma_wait3A_36 = arith.constant 0 : i32
      %dma_wait3A_37 = tpu.memref_slice %arg3[%multiple_of3A_7, %dma_wait3A_36] : memref<2560x128xi32, #tpu.memory_space<hbm>> -> memref<80x128xi32, #tpu.memory_space<hbm>>
      %dma_wait3A_38 = arith.constant 0 : i32
      %dma_wait3A_39 = tpu.memref_slice %arg3[%multiple_of3A_7, %dma_wait3A_38] : memref<2560x128xi32, #tpu.memory_space<hbm>> -> memref<80x128xi32, #tpu.memory_space<hbm>>
      tpu.wait_dma2 semaphore(%run_scoped3A : memref<!tpu.dma_semaphore, #tpu.memory_space<semaphore_mem>>) src(%dma_wait3A_39 : memref<80x128xi32, #tpu.memory_space<hbm>>) dst(%arg6 : memref<80x128xi32, #tpu.memory_space<vmem>>)
      tpu.yield
    }) : () -> ()
    %barrier3A = arith.constant 0 : index
    tpu.barrier barrier_id(%barrier3A)
    %scan3A = arith.constant 0 : i32
    %scan3A_8 = arith.constant 0 : i32
    %scan3A_9 = arith.constant 8 : i32
    %scan3A_10 = arith.addi %scan3A_8, %scan3A_9 : i32
    %scan3A_11 = arith.constant 1 : i32
    scf.for %scan3A_32 = %scan3A_8 to %scan3A_10 step %scan3A_11  : i32 {
      %mul3A_33 = arith.constant 16 : i32
      %mul3A_34 = arith.muli %scan3A_32, %mul3A_33 : i32
      %get3A = arith.constant 0 : i32
      %get3A_35 = arith.index_cast %get3A : i32 to index
      %get3A_36 = arith.index_cast %mul3A_34 : i32 to index
      %get3A_37 = tpu.vector_load %arg6[%get3A_35, %get3A_36] {strides = array<i32>} : memref<80x128xi32, #tpu.memory_space<vmem>>, vector<1x16xi32>,
      %get3A_38 = vector.shape_cast %get3A_37 : vector<1x16xi32> to vector<16xi32>
      %and3A = arith.constant 16383 : i32
      %and3A_39 = vector.broadcast %and3A : i32 to vector<16xi32>
      %and3A_40 = arith.andi %get3A_38, %and3A_39 : vector<16xi32>
      %swap3A = arith.index_cast %mul3A_34 : i32 to index
      %swap3A_41 = tpu.vector_load %arg7[%swap3A] {strides = array<i32>} : memref<128xi32, #tpu.memory_space<vmem>>, vector<16xi32>,
      %swap3A_42 = vector.shape_cast %swap3A_41 : vector<16xi32> to vector<16xi32>
      %swap3A_43 = vector.shape_cast %and3A_40 : vector<16xi32> to vector<16xi32>
      tpu.vector_store %arg7[%swap3A], %swap3A_43 {strides = array<i32>} : memref<128xi32, #tpu.memory_space<vmem>>, vector<16xi32>,
      %shift_right_logical3A = arith.constant 14 : i32
      %shift_right_logical3A_44 = vector.broadcast %shift_right_logical3A : i32 to vector<16xi32>
      %shift_right_logical3A_45 = arith.shrui %get3A_38, %shift_right_logical3A_44 : vector<16xi32>
      %swap3A_46 = arith.index_cast %mul3A_34 : i32 to index
      %swap3A_47 = tpu.vector_load %arg8[%swap3A_46] {strides = array<i32>} : memref<128xi32, #tpu.memory_space<vmem>>, vector<16xi32>,
      %swap3A_48 = vector.shape_cast %swap3A_47 : vector<16xi32> to vector<16xi32>
      %swap3A_49 = vector.shape_cast %shift_right_logical3A_45 : vector<16xi32> to vector<16xi32>
      tpu.vector_store %arg8[%swap3A_46], %swap3A_49 {strides = array<i32>} : memref<128xi32, #tpu.memory_space<vmem>>, vector<16xi32>,
    }
    %scan3A_12 = arith.constant 8 : i32
    %dma_start3A = arith.constant 0 : i32
    %dma_start3A_13 = arith.constant 0 : i32
    %dma_start3A_14 = tpu.memref_slice %arg2[%dma_start3A, %dma_start3A_13] : memref<10000x128xf32, #tpu.memory_space<hbm>> -> memref<10000x128xf32, #tpu.memory_space<hbm>>
    tpu.enqueue_indirect_dma source(%dma_start3A_14 : memref<10000x128xf32, #tpu.memory_space<hbm>>) target(%arg11 : memref<128x128xf32, #tpu.memory_space<vmem>>) offsets(%arg7 : memref<128xi32, #tpu.memory_space<vmem>>) semaphore(%arg14 : memref<!tpu.dma_semaphore, #tpu.memory_space<semaphore_mem>>)
    %scan3A_15 = arith.constant 0 : i32
    %scan3A_16 = arith.constant 0 : i32
    %scan3A_17 = arith.constant 40 : i32
    %scan3A_18 = arith.addi %scan3A_16, %scan3A_17 : i32
    %scan3A_19 = arith.constant 1 : i32
    scf.for %scan3A_32 = %scan3A_16 to %scan3A_18 step %scan3A_19  : i32 {
      %mul3A_33 = arith.constant 2 : i32
      %mul3A_34 = arith.muli %scan3A_32, %mul3A_33 : i32
      %add3A_35 = arith.constant 1 : i32
      %add3A_36 = arith.addi %mul3A_34, %add3A_35 : i32
      %scan3A_37 = arith.constant 0 : i32
      %scan3A_38 = arith.constant 0 : i32
      %scan3A_39 = arith.constant 8 : i32
      %scan3A_40 = arith.addi %scan3A_38, %scan3A_39 : i32
      %scan3A_41 = arith.constant 1 : i32
      scf.for %scan3A_64 = %scan3A_38 to %scan3A_40 step %scan3A_41  : i32 {
        %mul3A_65 = arith.constant 16 : i32
        %mul3A_66 = arith.muli %scan3A_64, %mul3A_65 : i32
        %get3A = arith.index_cast %add3A_36 : i32 to index
        %get3A_67 = arith.index_cast %mul3A_66 : i32 to index
        %get3A_68 = tpu.vector_load %arg6[%get3A, %get3A_67] {strides = array<i32>} : memref<80x128xi32, #tpu.memory_space<vmem>>, vector<1x16xi32>,
        %get3A_69 = vector.shape_cast %get3A_68 : vector<1x16xi32> to vector<16xi32>
        %and3A = arith.constant 16383 : i32
        %and3A_70 = vector.broadcast %and3A : i32 to vector<16xi32>
        %and3A_71 = arith.andi %get3A_69, %and3A_70 : vector<16xi32>
        %swap3A = arith.index_cast %mul3A_66 : i32 to index
        %swap3A_72 = tpu.vector_load %arg9[%swap3A] {strides = array<i32>} : memref<128xi32, #tpu.memory_space<vmem>>, vector<16xi32>,
        %swap3A_73 = vector.shape_cast %swap3A_72 : vector<16xi32> to vector<16xi32>
        %swap3A_74 = vector.shape_cast %and3A_71 : vector<16xi32> to vector<16xi32>
        tpu.vector_store %arg9[%swap3A], %swap3A_74 {strides = array<i32>} : memref<128xi32, #tpu.memory_space<vmem>>, vector<16xi32>,
        %shift_right_logical3A = arith.constant 14 : i32
        %shift_right_logical3A_75 = vector.broadcast %shift_right_logical3A : i32 to vector<16xi32>
        %shift_right_logical3A_76 = arith.shrui %get3A_69, %shift_right_logical3A_75 : vector<16xi32>
        %swap3A_77 = arith.index_cast %mul3A_66 : i32 to index
        %swap3A_78 = tpu.vector_load %arg10[%swap3A_77] {strides = array<i32>} : memref<128xi32, #tpu.memory_space<vmem>>, vector<16xi32>,
        %swap3A_79 = vector.shape_cast %swap3A_78 : vector<16xi32> to vector<16xi32>
        %swap3A_80 = vector.shape_cast %shift_right_logical3A_76 : vector<16xi32> to vector<16xi32>
        tpu.vector_store %arg10[%swap3A_77], %swap3A_80 {strides = array<i32>} : memref<128xi32, #tpu.memory_space<vmem>>, vector<16xi32>,
      }
      %scan3A_42 = arith.constant 8 : i32
      %dma_wait3A_43 = arith.constant 0 : i32
      %dma_wait3A_44 = arith.constant 0 : i32
      %dma_wait3A_45 = tpu.memref_slice %arg2[%dma_wait3A_43, %dma_wait3A_44] : memref<10000x128xf32, #tpu.memory_space<hbm>> -> memref<10000x128xf32, #tpu.memory_space<hbm>>
      tpu.wait_indirect_dma semaphore(%arg14 : memref<!tpu.dma_semaphore, #tpu.memory_space<semaphore_mem>>) src(%dma_wait3A_45 : memref<10000x128xf32, #tpu.memory_space<hbm>>) dst(%arg11 : memref<128x128xf32, #tpu.memory_space<vmem>>)
      %dma_start3A_46 = arith.constant 0 : i32
      %dma_start3A_47 = arith.constant 0 : i32
      %dma_start3A_48 = tpu.memref_slice %arg2[%dma_start3A_46, %dma_start3A_47] : memref<10000x128xf32, #tpu.memory_space<hbm>> -> memref<10000x128xf32, #tpu.memory_space<hbm>>
      tpu.enqueue_indirect_dma source(%dma_start3A_48 : memref<10000x128xf32, #tpu.memory_space<hbm>>) target(%arg12 : memref<128x128xf32, #tpu.memory_space<vmem>>) offsets(%arg9 : memref<128xi32, #tpu.memory_space<vmem>>) semaphore(%arg14 : memref<!tpu.dma_semaphore, #tpu.memory_space<semaphore_mem>>)
      "tpu.region"() ({
        %run_scoped3A = tpu.sem_alloc : memref<!tpu.dma_semaphore, #tpu.memory_space<semaphore_mem>>
        %dma_start3A_64 = arith.constant 0 : i32
        %dma_start3A_65 = arith.constant 0 : i32
        %dma_start3A_66 = tpu.memref_slice %arg13[%dma_start3A_64, %dma_start3A_65] : memref<10128x128xf32, #tpu.memory_space<vmem_shared>> -> memref<10128x128xf32, #tpu.memory_space<vmem_shared>>
        tpu.enqueue_indirect_dma source(%arg11 : memref<128x128xf32, #tpu.memory_space<vmem>>) target(%dma_start3A_66 : memref<10128x128xf32, #tpu.memory_space<vmem_shared>>) offsets(%arg8 : memref<128xi32, #tpu.memory_space<vmem>>) semaphore(%run_scoped3A : memref<!tpu.dma_semaphore, #tpu.memory_space<semaphore_mem>>) {add = true}
        %dma_wait3A_67 = arith.constant 0 : i32
        %dma_wait3A_68 = arith.constant 0 : i32
        %dma_wait3A_69 = tpu.memref_slice %arg13[%dma_wait3A_67, %dma_wait3A_68] : memref<10128x128xf32, #tpu.memory_space<vmem_shared>> -> memref<10128x128xf32, #tpu.memory_space<vmem_shared>>
        tpu.wait_indirect_dma semaphore(%run_scoped3A : memref<!tpu.dma_semaphore, #tpu.memory_space<semaphore_mem>>) src(%arg11 : memref<128x128xf32, #tpu.memory_space<vmem>>) dst(%dma_wait3A_69 : memref<10128x128xf32, #tpu.memory_space<vmem_shared>>)
        tpu.yield
      }) : () -> ()
      %add3A_49 = arith.constant 1 : i32
      %add3A_50 = arith.addi %add3A_36, %add3A_49 : i32
      %min3A = arith.constant 79 : i32
      %min3A_51 = arith.minsi %add3A_50, %min3A : i32
      %scan3A_52 = arith.constant 0 : i32
      %scan3A_53 = arith.constant 0 : i32
      %scan3A_54 = arith.constant 8 : i32
      %scan3A_55 = arith.addi %scan3A_53, %scan3A_54 : i32
      %scan3A_56 = arith.constant 1 : i32
      scf.for %scan3A_64 = %scan3A_53 to %scan3A_55 step %scan3A_56  : i32 {
        %mul3A_65 = arith.constant 16 : i32
        %mul3A_66 = arith.muli %scan3A_64, %mul3A_65 : i32
        %get3A = arith.index_cast %min3A_51 : i32 to index
        %get3A_67 = arith.index_cast %mul3A_66 : i32 to index
        %get3A_68 = tpu.vector_load %arg6[%get3A, %get3A_67] {strides = array<i32>} : memref<80x128xi32, #tpu.memory_space<vmem>>, vector<1x16xi32>,
        %get3A_69 = vector.shape_cast %get3A_68 : vector<1x16xi32> to vector<16xi32>
        %and3A = arith.constant 16383 : i32
        %and3A_70 = vector.broadcast %and3A : i32 to vector<16xi32>
        %and3A_71 = arith.andi %get3A_69, %and3A_70 : vector<16xi32>
        %swap3A = arith.index_cast %mul3A_66 : i32 to index
        %swap3A_72 = tpu.vector_load %arg7[%swap3A] {strides = array<i32>} : memref<128xi32, #tpu.memory_space<vmem>>, vector<16xi32>,
        %swap3A_73 = vector.shape_cast %swap3A_72 : vector<16xi32> to vector<16xi32>
        %swap3A_74 = vector.shape_cast %and3A_71 : vector<16xi32> to vector<16xi32>
        tpu.vector_store %arg7[%swap3A], %swap3A_74 {strides = array<i32>} : memref<128xi32, #tpu.memory_space<vmem>>, vector<16xi32>,
        %shift_right_logical3A = arith.constant 14 : i32
        %shift_right_logical3A_75 = vector.broadcast %shift_right_logical3A : i32 to vector<16xi32>
        %shift_right_logical3A_76 = arith.shrui %get3A_69, %shift_right_logical3A_75 : vector<16xi32>
        %swap3A_77 = arith.index_cast %mul3A_66 : i32 to index
        %swap3A_78 = tpu.vector_load %arg8[%swap3A_77] {strides = array<i32>} : memref<128xi32, #tpu.memory_space<vmem>>, vector<16xi32>,
        %swap3A_79 = vector.shape_cast %swap3A_78 : vector<16xi32> to vector<16xi32>
        %swap3A_80 = vector.shape_cast %shift_right_logical3A_76 : vector<16xi32> to vector<16xi32>
        tpu.vector_store %arg8[%swap3A_77], %swap3A_80 {strides = array<i32>} : memref<128xi32, #tpu.memory_space<vmem>>, vector<16xi32>,
      }
      %scan3A_57 = arith.constant 8 : i32
      %dma_wait3A_58 = arith.constant 0 : i32
      %dma_wait3A_59 = arith.constant 0 : i32
      %dma_wait3A_60 = tpu.memref_slice %arg2[%dma_wait3A_58, %dma_wait3A_59] : memref<10000x128xf32, #tpu.memory_space<hbm>> -> memref<10000x128xf32, #tpu.memory_space<hbm>>
      tpu.wait_indirect_dma semaphore(%arg14 : memref<!tpu.dma_semaphore, #tpu.memory_space<semaphore_mem>>) src(%dma_wait3A_60 : memref<10000x128xf32, #tpu.memory_space<hbm>>) dst(%arg12 : memref<128x128xf32, #tpu.memory_space<vmem>>)
      %dma_start3A_61 = arith.constant 0 : i32
      %dma_start3A_62 = arith.constant 0 : i32
      %dma_start3A_63 = tpu.memref_slice %arg2[%dma_start3A_61, %dma_start3A_62] : memref<10000x128xf32, #tpu.memory_space<hbm>> -> memref<10000x128xf32, #tpu.memory_space<hbm>>
      tpu.enqueue_indirect_dma source(%dma_start3A_63 : memref<10000x128xf32, #tpu.memory_space<hbm>>) target(%arg11 : memref<128x128xf32, #tpu.memory_space<vmem>>) offsets(%arg7 : memref<128xi32, #tpu.memory_space<vmem>>) semaphore(%arg14 : memref<!tpu.dma_semaphore, #tpu.memory_space<semaphore_mem>>)
      "tpu.region"() ({
        %run_scoped3A = tpu.sem_alloc : memref<!tpu.dma_semaphore, #tpu.memory_space<semaphore_mem>>
        %dma_start3A_64 = arith.constant 0 : i32
        %dma_start3A_65 = arith.constant 0 : i32
        %dma_start3A_66 = tpu.memref_slice %arg13[%dma_start3A_64, %dma_start3A_65] : memref<10128x128xf32, #tpu.memory_space<vmem_shared>> -> memref<10128x128xf32, #tpu.memory_space<vmem_shared>>
        tpu.enqueue_indirect_dma source(%arg12 : memref<128x128xf32, #tpu.memory_space<vmem>>) target(%dma_start3A_66 : memref<10128x128xf32, #tpu.memory_space<vmem_shared>>) offsets(%arg10 : memref<128xi32, #tpu.memory_space<vmem>>) semaphore(%run_scoped3A : memref<!tpu.dma_semaphore, #tpu.memory_space<semaphore_mem>>) {add = true}
        %dma_wait3A_67 = arith.constant 0 : i32
        %dma_wait3A_68 = arith.constant 0 : i32
        %dma_wait3A_69 = tpu.memref_slice %arg13[%dma_wait3A_67, %dma_wait3A_68] : memref<10128x128xf32, #tpu.memory_space<vmem_shared>> -> memref<10128x128xf32, #tpu.memory_space<vmem_shared>>
        tpu.wait_indirect_dma semaphore(%run_scoped3A : memref<!tpu.dma_semaphore, #tpu.memory_space<semaphore_mem>>) src(%arg12 : memref<128x128xf32, #tpu.memory_space<vmem>>) dst(%dma_wait3A_69 : memref<10128x128xf32, #tpu.memory_space<vmem_shared>>)
        tpu.yield
      }) : () -> ()
    }
    %scan3A_20 = arith.constant 40 : i32
    %dma_wait3A = arith.constant 0 : i32
    %dma_wait3A_21 = arith.constant 0 : i32
    %dma_wait3A_22 = tpu.memref_slice %arg2[%dma_wait3A, %dma_wait3A_21] : memref<10000x128xf32, #tpu.memory_space<hbm>> -> memref<10000x128xf32, #tpu.memory_space<hbm>>
    tpu.wait_indirect_dma semaphore(%arg14 : memref<!tpu.dma_semaphore, #tpu.memory_space<semaphore_mem>>) src(%dma_wait3A_22 : memref<10000x128xf32, #tpu.memory_space<hbm>>) dst(%arg11 : memref<128x128xf32, #tpu.memory_space<vmem>>)
    %barrier3A_23 = arith.constant 0 : index
    tpu.barrier barrier_id(%barrier3A_23)
    %mul3A_24 = arith.constant 624 : i32
    %mul3A_25 = arith.muli %arg1, %mul3A_24 : i32
    %multiple_of3A_26 = tpu.assume_multiple %mul3A_25, 8 : i32
    "tpu.region"() ({
      %run_scoped3A = tpu.sem_alloc : memref<!tpu.dma_semaphore, #tpu.memory_space<semaphore_mem>>
      %dma_start3A_32 = arith.constant 0 : i32
      %dma_start3A_33 = tpu.memref_slice %arg5[%arg0, %multiple_of3A_26, %dma_start3A_32] : memref<2x10000x128xf32, #tpu.memory_space<hbm>> -> memref<1x624x128xf32, #tpu.memory_space<hbm>>
      %dma_start3A_34 = tpu.memref_squeeze %dma_start3A_33 : memref<1x624x128xf32, #tpu.memory_space<hbm>> -> memref<624x128xf32, #tpu.memory_space<hbm>>
      %dma_start3A_35 = arith.constant 0 : i32
      %dma_start3A_36 = tpu.memref_slice %arg13[%multiple_of3A_26, %dma_start3A_35] : memref<10128x128xf32, #tpu.memory_space<vmem_shared>> -> memref<624x128xf32, #tpu.memory_space<vmem_shared>>
      tpu.enqueue_dma source(%dma_start3A_36 : memref<624x128xf32, #tpu.memory_space<vmem_shared>>) target(%dma_start3A_34 : memref<624x128xf32, #tpu.memory_space<hbm>>) target_semaphore(%run_scoped3A : memref<!tpu.dma_semaphore, #tpu.memory_space<semaphore_mem>>)
      %dma_wait3A_37 = arith.constant 0 : i32
      %dma_wait3A_38 = tpu.memref_slice %arg5[%arg0, %multiple_of3A_26, %dma_wait3A_37] : memref<2x10000x128xf32, #tpu.memory_space<hbm>> -> memref<1x624x128xf32, #tpu.memory_space<hbm>>
      %dma_wait3A_39 = tpu.memref_squeeze %dma_wait3A_38 : memref<1x624x128xf32, #tpu.memory_space<hbm>> -> memref<624x128xf32, #tpu.memory_space<hbm>>
      %dma_wait3A_40 = arith.constant 0 : i32
      %dma_wait3A_41 = tpu.memref_slice %arg13[%multiple_of3A_26, %dma_wait3A_40] : memref<10128x128xf32, #tpu.memory_space<vmem_shared>> -> memref<624x128xf32, #tpu.memory_space<vmem_shared>>
      tpu.wait_dma2 semaphore(%run_scoped3A : memref<!tpu.dma_semaphore, #tpu.memory_space<semaphore_mem>>) src(%dma_wait3A_41 : memref<624x128xf32, #tpu.memory_space<vmem_shared>>) dst(%dma_wait3A_39 : memref<624x128xf32, #tpu.memory_space<hbm>>)
      tpu.yield
    }) : () -> ()
    %eq3A_27 = arith.constant 15 : i32
    %eq3A_28 = arith.cmpi eq, %arg1, %eq3A_27 : i32
    %convert_element_type3A_29 = arith.extui %eq3A_28 : i1 to i32
    %cond3A_30 = arith.constant 0 : i32
    %cond3A_31 = arith.cmpi ne, %convert_element_type3A_29, %cond3A_30 : i32
    scf.if %cond3A_31 {
      "tpu.region"() ({
        %run_scoped3A = tpu.sem_alloc : memref<!tpu.dma_semaphore, #tpu.memory_space<semaphore_mem>>
        %dma_start3A_32 = arith.constant 9984 : i32
        %dma_start3A_33 = arith.constant 0 : i32
        %dma_start3A_34 = tpu.memref_slice %arg5[%arg0, %dma_start3A_32, %dma_start3A_33] : memref<2x10000x128xf32, #tpu.memory_space<hbm>> -> memref<1x16x128xf32, #tpu.memory_space<hbm>>
        %dma_start3A_35 = tpu.memref_squeeze %dma_start3A_34 : memref<1x16x128xf32, #tpu.memory_space<hbm>> -> memref<16x128xf32, #tpu.memory_space<hbm>>
        %dma_start3A_36 = arith.constant 9984 : i32
        %dma_start3A_37 = arith.constant 0 : i32
        %dma_start3A_38 = tpu.memref_slice %arg13[%dma_start3A_36, %dma_start3A_37] : memref<10128x128xf32, #tpu.memory_space<vmem_shared>> -> memref<16x128xf32, #tpu.memory_space<vmem_shared>>
        tpu.enqueue_dma source(%dma_start3A_38 : memref<16x128xf32, #tpu.memory_space<vmem_shared>>) target(%dma_start3A_35 : memref<16x128xf32, #tpu.memory_space<hbm>>) target_semaphore(%run_scoped3A : memref<!tpu.dma_semaphore, #tpu.memory_space<semaphore_mem>>)
        %dma_wait3A_39 = arith.constant 9984 : i32
        %dma_wait3A_40 = arith.constant 0 : i32
        %dma_wait3A_41 = tpu.memref_slice %arg5[%arg0, %dma_wait3A_39, %dma_wait3A_40] : memref<2x10000x128xf32, #tpu.memory_space<hbm>> -> memref<1x16x128xf32, #tpu.memory_space<hbm>>
        %dma_wait3A_42 = tpu.memref_squeeze %dma_wait3A_41 : memref<1x16x128xf32, #tpu.memory_space<hbm>> -> memref<16x128xf32, #tpu.memory_space<hbm>>
        %dma_wait3A_43 = arith.constant 9984 : i32
        %dma_wait3A_44 = arith.constant 0 : i32
        %dma_wait3A_45 = tpu.memref_slice %arg13[%dma_wait3A_43, %dma_wait3A_44] : memref<10128x128xf32, #tpu.memory_space<vmem_shared>> -> memref<16x128xf32, #tpu.memory_space<vmem_shared>>
        tpu.wait_dma2 semaphore(%run_scoped3A : memref<!tpu.dma_semaphore, #tpu.memory_space<semaphore_mem>>) src(%dma_wait3A_45 : memref<16x128xf32, #tpu.memory_space<vmem_shared>>) dst(%dma_wait3A_42 : memref<16x128xf32, #tpu.memory_space<hbm>>)
        tpu.yield
      }) : () -> ()
    } else {
    }
    return
  }
}

#map = affine_map<(d0, d1) -> (0, 0)>
#map1 = affine_map<(d0, d1) -> (0, 0, 0)>
module attributes {stable_mosaic.version = 14 : i64} {
  func.func @_edge_aggr_body(%arg0: i32, %arg1: i32, %arg2: memref<10000x128xf32, #tpu.memory_space<hbm>>, %arg3: memref<2560x128xi32, #tpu.memory_space<hbm>>, %arg4: memref<10128x128xf32, #tpu.memory_space<hbm>>, %arg5: memref<2x10000x128xf32, #tpu.memory_space<hbm>>, %arg6: memref<80x128xi32, #tpu.memory_space<vmem>>, %arg7: memref<128xi32, #tpu.memory_space<vmem>>, %arg8: memref<128xi32, #tpu.memory_space<vmem>>, %arg9: memref<128xi32, #tpu.memory_space<vmem>>, %arg10: memref<128xi32, #tpu.memory_space<vmem>>, %arg11: memref<128x128xf32, #tpu.memory_space<vmem>>, %arg12: memref<128x128xf32, #tpu.memory_space<vmem>>, %arg13: memref<10128x128xf32, #tpu.memory_space<vmem_shared>>, %arg14: memref<!tpu.dma_semaphore, #tpu.memory_space<semaphore_mem>>) attributes {dimension_semantics = [#tpu.dimension_semantics<core_parallel>, #tpu.dimension_semantics<subcore_parallel>], iteration_bounds = array<i64: 2, 16>, scalar_prefetch = 0 : i64, scratch_operands = 9 : i64, tpu.core_type = #tpu.core_type<sc_vector_subcore>, window_params = [{transform_indices = #map}, {transform_indices = #map}, {transform_indices = #map}, {transform_indices = #map1}]} {
    %mul3A = arith.constant 16 : i32
    %mul3A_0 = arith.muli %arg0, %mul3A : i32
    %add3A = arith.addi %mul3A_0, %arg1 : i32
    %mul3A_1 = arith.constant 632 : i32
    %mul3A_2 = arith.muli %arg1, %mul3A_1 : i32
    %multiple_of3A = tpu.assume_multiple %mul3A_2, 8 : i32
    "tpu.region"() ({
      %run_scoped3A = tpu.sem_alloc : memref<!tpu.dma_semaphore, #tpu.memory_space<semaphore_mem>>
      %dma_start3A_32 = arith.constant 0 : i32
      %dma_start3A_33 = tpu.memref_slice %arg13[%multiple_of3A, %dma_start3A_32] : memref<10128x128xf32, #tpu.memory_space<vmem_shared>> -> memref<632x128xf32, #tpu.memory_space<vmem_shared>>
      %dma_start3A_34 = arith.constant 0 : i32
      %dma_start3A_35 = tpu.memref_slice %arg4[%multiple_of3A, %dma_start3A_34] : memref<10128x128xf32, #tpu.memory_space<hbm>> -> memref<632x128xf32, #tpu.memory_space<hbm>>
      tpu.enqueue_dma source(%dma_start3A_35 : memref<632x128xf32, #tpu.memory_space<hbm>>) target(%dma_start3A_33 : memref<632x128xf32, #tpu.memory_space<vmem_shared>>) target_semaphore(%run_scoped3A : memref<!tpu.dma_semaphore, #tpu.memory_space<semaphore_mem>>)
      %dma_wait3A_36 = arith.constant 0 : i32
      %dma_wait3A_37 = tpu.memref_slice %arg13[%multiple_of3A, %dma_wait3A_36] : memref<10128x128xf32, #tpu.memory_space<vmem_shared>> -> memref<632x128xf32, #tpu.memory_space<vmem_shared>>
      %dma_wait3A_38 = arith.constant 0 : i32
      %dma_wait3A_39 = tpu.memref_slice %arg4[%multiple_of3A, %dma_wait3A_38] : memref<10128x128xf32, #tpu.memory_space<hbm>> -> memref<632x128xf32, #tpu.memory_space<hbm>>
      tpu.wait_dma2 semaphore(%run_scoped3A : memref<!tpu.dma_semaphore, #tpu.memory_space<semaphore_mem>>) src(%dma_wait3A_39 : memref<632x128xf32, #tpu.memory_space<hbm>>) dst(%dma_wait3A_37 : memref<632x128xf32, #tpu.memory_space<vmem_shared>>)
      tpu.yield
    }) : () -> ()
    %eq3A = arith.constant 15 : i32
    %eq3A_3 = arith.cmpi eq, %arg1, %eq3A : i32
    %convert_element_type3A = arith.extui %eq3A_3 : i1 to i32
    %cond3A = arith.constant 0 : i32
    %cond3A_4 = arith.cmpi ne, %convert_element_type3A, %cond3A : i32
    scf.if %cond3A_4 {
      "tpu.region"() ({
        %run_scoped3A = tpu.sem_alloc : memref<!tpu.dma_semaphore, #tpu.memory_space<semaphore_mem>>
        %dma_start3A_32 = arith.constant 10112 : i32
        %dma_start3A_33 = arith.constant 0 : i32
        %dma_start3A_34 = tpu.memref_slice %arg13[%dma_start3A_32, %dma_start3A_33] : memref<10128x128xf32, #tpu.memory_space<vmem_shared>> -> memref<16x128xf32, #tpu.memory_space<vmem_shared>>
        %dma_start3A_35 = arith.constant 10112 : i32
        %dma_start3A_36 = arith.constant 0 : i32
        %dma_start3A_37 = tpu.memref_slice %arg4[%dma_start3A_35, %dma_start3A_36] : memref<10128x128xf32, #tpu.memory_space<hbm>> -> memref<16x128xf32, #tpu.memory_space<hbm>>
        tpu.enqueue_dma source(%dma_start3A_37 : memref<16x128xf32, #tpu.memory_space<hbm>>) target(%dma_start3A_34 : memref<16x128xf32, #tpu.memory_space<vmem_shared>>) target_semaphore(%run_scoped3A : memref<!tpu.dma_semaphore, #tpu.memory_space<semaphore_mem>>)
        %dma_wait3A_38 = arith.constant 10112 : i32
        %dma_wait3A_39 = arith.constant 0 : i32
        %dma_wait3A_40 = tpu.memref_slice %arg13[%dma_wait3A_38, %dma_wait3A_39] : memref<10128x128xf32, #tpu.memory_space<vmem_shared>> -> memref<16x128xf32, #tpu.memory_space<vmem_shared>>
        %dma_wait3A_41 = arith.constant 10112 : i32
        %dma_wait3A_42 = arith.constant 0 : i32
        %dma_wait3A_43 = tpu.memref_slice %arg4[%dma_wait3A_41, %dma_wait3A_42] : memref<10128x128xf32, #tpu.memory_space<hbm>> -> memref<16x128xf32, #tpu.memory_space<hbm>>
        tpu.wait_dma2 semaphore(%run_scoped3A : memref<!tpu.dma_semaphore, #tpu.memory_space<semaphore_mem>>) src(%dma_wait3A_43 : memref<16x128xf32, #tpu.memory_space<hbm>>) dst(%dma_wait3A_40 : memref<16x128xf32, #tpu.memory_space<vmem_shared>>)
        tpu.yield
      }) : () -> ()
    } else {
    }
    %mul3A_5 = arith.constant 80 : i32
    %mul3A_6 = arith.muli %add3A, %mul3A_5 : i32
    %multiple_of3A_7 = tpu.assume_multiple %mul3A_6, 8 : i32
    "tpu.region"() ({
      %run_scoped3A = tpu.sem_alloc : memref<!tpu.dma_semaphore, #tpu.memory_space<semaphore_mem>>
      %dma_start3A_32 = arith.constant 0 : i32
      %dma_start3A_33 = tpu.memref_slice %arg3[%multiple_of3A_7, %dma_start3A_32] : memref<2560x128xi32, #tpu.memory_space<hbm>> -> memref<80x128xi32, #tpu.memory_space<hbm>>
      %dma_start3A_34 = arith.constant 0 : i32
      %dma_start3A_35 = tpu.memref_slice %arg3[%multiple_of3A_7, %dma_start3A_34] : memref<2560x128xi32, #tpu.memory_space<hbm>> -> memref<80x128xi32, #tpu.memory_space<hbm>>
      tpu.enqueue_dma source(%dma_start3A_35 : memref<80x128xi32, #tpu.memory_space<hbm>>) target(%arg6 : memref<80x128xi32, #tpu.memory_space<vmem>>) target_semaphore(%run_scoped3A : memref<!tpu.dma_semaphore, #tpu.memory_space<semaphore_mem>>)
      %dma_wait3A_36 = arith.constant 0 : i32
      %dma_wait3A_37 = tpu.memref_slice %arg3[%multiple_of3A_7, %dma_wait3A_36] : memref<2560x128xi32, #tpu.memory_space<hbm>> -> memref<80x128xi32, #tpu.memory_space<hbm>>
      %dma_wait3A_38 = arith.constant 0 : i32
      %dma_wait3A_39 = tpu.memref_slice %arg3[%multiple_of3A_7, %dma_wait3A_38] : memref<2560x128xi32, #tpu.memory_space<hbm>> -> memref<80x128xi32, #tpu.memory_space<hbm>>
      tpu.wait_dma2 semaphore(%run_scoped3A : memref<!tpu.dma_semaphore, #tpu.memory_space<semaphore_mem>>) src(%dma_wait3A_39 : memref<80x128xi32, #tpu.memory_space<hbm>>) dst(%arg6 : memref<80x128xi32, #tpu.memory_space<vmem>>)
      tpu.yield
    }) : () -> ()
    %barrier3A = arith.constant 0 : index
    tpu.barrier barrier_id(%barrier3A)
    %scan3A = arith.constant 0 : i32
    %scan3A_8 = arith.constant 0 : i32
    %scan3A_9 = arith.constant 8 : i32
    %scan3A_10 = arith.addi %scan3A_8, %scan3A_9 : i32
    %scan3A_11 = arith.constant 1 : i32
    scf.for %scan3A_32 = %scan3A_8 to %scan3A_10 step %scan3A_11  : i32 {
      %mul3A_33 = arith.constant 16 : i32
      %mul3A_34 = arith.muli %scan3A_32, %mul3A_33 : i32
      %get3A = arith.constant 0 : i32
      %get3A_35 = arith.index_cast %get3A : i32 to index
      %get3A_36 = arith.index_cast %mul3A_34 : i32 to index
      %get3A_37 = tpu.vector_load %arg6[%get3A_35, %get3A_36] {strides = array<i32>} : memref<80x128xi32, #tpu.memory_space<vmem>>, vector<1x16xi32>,
      %get3A_38 = vector.shape_cast %get3A_37 : vector<1x16xi32> to vector<16xi32>
      %and3A = arith.constant 16383 : i32
      %and3A_39 = vector.broadcast %and3A : i32 to vector<16xi32>
      %and3A_40 = arith.andi %get3A_38, %and3A_39 : vector<16xi32>
      %swap3A = arith.index_cast %mul3A_34 : i32 to index
      %swap3A_41 = tpu.vector_load %arg7[%swap3A] {strides = array<i32>} : memref<128xi32, #tpu.memory_space<vmem>>, vector<16xi32>,
      %swap3A_42 = vector.shape_cast %swap3A_41 : vector<16xi32> to vector<16xi32>
      %swap3A_43 = vector.shape_cast %and3A_40 : vector<16xi32> to vector<16xi32>
      tpu.vector_store %arg7[%swap3A], %swap3A_43 {strides = array<i32>} : memref<128xi32, #tpu.memory_space<vmem>>, vector<16xi32>,
      %shift_right_logical3A = arith.constant 14 : i32
      %shift_right_logical3A_44 = vector.broadcast %shift_right_logical3A : i32 to vector<16xi32>
      %shift_right_logical3A_45 = arith.shrui %get3A_38, %shift_right_logical3A_44 : vector<16xi32>
      %swap3A_46 = arith.index_cast %mul3A_34 : i32 to index
      %swap3A_47 = tpu.vector_load %arg8[%swap3A_46] {strides = array<i32>} : memref<128xi32, #tpu.memory_space<vmem>>, vector<16xi32>,
      %swap3A_48 = vector.shape_cast %swap3A_47 : vector<16xi32> to vector<16xi32>
      %swap3A_49 = vector.shape_cast %shift_right_logical3A_45 : vector<16xi32> to vector<16xi32>
      tpu.vector_store %arg8[%swap3A_46], %swap3A_49 {strides = array<i32>} : memref<128xi32, #tpu.memory_space<vmem>>, vector<16xi32>,
    }
    %scan3A_12 = arith.constant 8 : i32
    %dma_start3A = arith.constant 0 : i32
    %dma_start3A_13 = arith.constant 0 : i32
    %dma_start3A_14 = tpu.memref_slice %arg2[%dma_start3A, %dma_start3A_13] : memref<10000x128xf32, #tpu.memory_space<hbm>> -> memref<10000x128xf32, #tpu.memory_space<hbm>>
    tpu.enqueue_indirect_dma source(%dma_start3A_14 : memref<10000x128xf32, #tpu.memory_space<hbm>>) target(%arg11 : memref<128x128xf32, #tpu.memory_space<vmem>>) offsets(%arg7 : memref<128xi32, #tpu.memory_space<vmem>>) semaphore(%arg14 : memref<!tpu.dma_semaphore, #tpu.memory_space<semaphore_mem>>)
    %scan3A_15 = arith.constant 0 : i32
    %scan3A_16 = arith.constant 0 : i32
    %scan3A_17 = arith.constant 40 : i32
    %scan3A_18 = arith.addi %scan3A_16, %scan3A_17 : i32
    %scan3A_19 = arith.constant 1 : i32
    scf.for %scan3A_32 = %scan3A_16 to %scan3A_18 step %scan3A_19  : i32 {
      %mul3A_33 = arith.constant 2 : i32
      %mul3A_34 = arith.muli %scan3A_32, %mul3A_33 : i32
      %add3A_35 = arith.constant 1 : i32
      %add3A_36 = arith.addi %mul3A_34, %add3A_35 : i32
      %scan3A_37 = arith.constant 0 : i32
      %scan3A_38 = arith.constant 0 : i32
      %scan3A_39 = arith.constant 8 : i32
      %scan3A_40 = arith.addi %scan3A_38, %scan3A_39 : i32
      %scan3A_41 = arith.constant 1 : i32
      scf.for %scan3A_64 = %scan3A_38 to %scan3A_40 step %scan3A_41  : i32 {
        %mul3A_65 = arith.constant 16 : i32
        %mul3A_66 = arith.muli %scan3A_64, %mul3A_65 : i32
        %get3A = arith.index_cast %add3A_36 : i32 to index
        %get3A_67 = arith.index_cast %mul3A_66 : i32 to index
        %get3A_68 = tpu.vector_load %arg6[%get3A, %get3A_67] {strides = array<i32>} : memref<80x128xi32, #tpu.memory_space<vmem>>, vector<1x16xi32>,
        %get3A_69 = vector.shape_cast %get3A_68 : vector<1x16xi32> to vector<16xi32>
        %and3A = arith.constant 16383 : i32
        %and3A_70 = vector.broadcast %and3A : i32 to vector<16xi32>
        %and3A_71 = arith.andi %get3A_69, %and3A_70 : vector<16xi32>
        %swap3A = arith.index_cast %mul3A_66 : i32 to index
        %swap3A_72 = tpu.vector_load %arg9[%swap3A] {strides = array<i32>} : memref<128xi32, #tpu.memory_space<vmem>>, vector<16xi32>,
        %swap3A_73 = vector.shape_cast %swap3A_72 : vector<16xi32> to vector<16xi32>
        %swap3A_74 = vector.shape_cast %and3A_71 : vector<16xi32> to vector<16xi32>
        tpu.vector_store %arg9[%swap3A], %swap3A_74 {strides = array<i32>} : memref<128xi32, #tpu.memory_space<vmem>>, vector<16xi32>,
        %shift_right_logical3A = arith.constant 14 : i32
        %shift_right_logical3A_75 = vector.broadcast %shift_right_logical3A : i32 to vector<16xi32>
        %shift_right_logical3A_76 = arith.shrui %get3A_69, %shift_right_logical3A_75 : vector<16xi32>
        %swap3A_77 = arith.index_cast %mul3A_66 : i32 to index
        %swap3A_78 = tpu.vector_load %arg10[%swap3A_77] {strides = array<i32>} : memref<128xi32, #tpu.memory_space<vmem>>, vector<16xi32>,
        %swap3A_79 = vector.shape_cast %swap3A_78 : vector<16xi32> to vector<16xi32>
        %swap3A_80 = vector.shape_cast %shift_right_logical3A_76 : vector<16xi32> to vector<16xi32>
        tpu.vector_store %arg10[%swap3A_77], %swap3A_80 {strides = array<i32>} : memref<128xi32, #tpu.memory_space<vmem>>, vector<16xi32>,
      }
      %scan3A_42 = arith.constant 8 : i32
      %dma_wait3A_43 = arith.constant 0 : i32
      %dma_wait3A_44 = arith.constant 0 : i32
      %dma_wait3A_45 = tpu.memref_slice %arg2[%dma_wait3A_43, %dma_wait3A_44] : memref<10000x128xf32, #tpu.memory_space<hbm>> -> memref<10000x128xf32, #tpu.memory_space<hbm>>
      tpu.wait_indirect_dma semaphore(%arg14 : memref<!tpu.dma_semaphore, #tpu.memory_space<semaphore_mem>>) src(%dma_wait3A_45 : memref<10000x128xf32, #tpu.memory_space<hbm>>) dst(%arg11 : memref<128x128xf32, #tpu.memory_space<vmem>>)
      %dma_start3A_46 = arith.constant 0 : i32
      %dma_start3A_47 = arith.constant 0 : i32
      %dma_start3A_48 = tpu.memref_slice %arg2[%dma_start3A_46, %dma_start3A_47] : memref<10000x128xf32, #tpu.memory_space<hbm>> -> memref<10000x128xf32, #tpu.memory_space<hbm>>
      tpu.enqueue_indirect_dma source(%dma_start3A_48 : memref<10000x128xf32, #tpu.memory_space<hbm>>) target(%arg12 : memref<128x128xf32, #tpu.memory_space<vmem>>) offsets(%arg9 : memref<128xi32, #tpu.memory_space<vmem>>) semaphore(%arg14 : memref<!tpu.dma_semaphore, #tpu.memory_space<semaphore_mem>>)
      "tpu.region"() ({
        %run_scoped3A = tpu.sem_alloc : memref<!tpu.dma_semaphore, #tpu.memory_space<semaphore_mem>>
        %dma_start3A_64 = arith.constant 0 : i32
        %dma_start3A_65 = arith.constant 0 : i32
        %dma_start3A_66 = tpu.memref_slice %arg13[%dma_start3A_64, %dma_start3A_65] : memref<10128x128xf32, #tpu.memory_space<vmem_shared>> -> memref<10128x128xf32, #tpu.memory_space<vmem_shared>>
        tpu.enqueue_indirect_dma source(%arg11 : memref<128x128xf32, #tpu.memory_space<vmem>>) target(%dma_start3A_66 : memref<10128x128xf32, #tpu.memory_space<vmem_shared>>) offsets(%arg8 : memref<128xi32, #tpu.memory_space<vmem>>) semaphore(%run_scoped3A : memref<!tpu.dma_semaphore, #tpu.memory_space<semaphore_mem>>) {add = true}
        %dma_wait3A_67 = arith.constant 0 : i32
        %dma_wait3A_68 = arith.constant 0 : i32
        %dma_wait3A_69 = tpu.memref_slice %arg13[%dma_wait3A_67, %dma_wait3A_68] : memref<10128x128xf32, #tpu.memory_space<vmem_shared>> -> memref<10128x128xf32, #tpu.memory_space<vmem_shared>>
        tpu.wait_indirect_dma semaphore(%run_scoped3A : memref<!tpu.dma_semaphore, #tpu.memory_space<semaphore_mem>>) src(%arg11 : memref<128x128xf32, #tpu.memory_space<vmem>>) dst(%dma_wait3A_69 : memref<10128x128xf32, #tpu.memory_space<vmem_shared>>)
        tpu.yield
      }) : () -> ()
      %add3A_49 = arith.constant 1 : i32
      %add3A_50 = arith.addi %add3A_36, %add3A_49 : i32
      %min3A = arith.constant 79 : i32
      %min3A_51 = arith.minsi %add3A_50, %min3A : i32
      %scan3A_52 = arith.constant 0 : i32
      %scan3A_53 = arith.constant 0 : i32
      %scan3A_54 = arith.constant 8 : i32
      %scan3A_55 = arith.addi %scan3A_53, %scan3A_54 : i32
      %scan3A_56 = arith.constant 1 : i32
      scf.for %scan3A_64 = %scan3A_53 to %scan3A_55 step %scan3A_56  : i32 {
        %mul3A_65 = arith.constant 16 : i32
        %mul3A_66 = arith.muli %scan3A_64, %mul3A_65 : i32
        %get3A = arith.index_cast %min3A_51 : i32 to index
        %get3A_67 = arith.index_cast %mul3A_66 : i32 to index
        %get3A_68 = tpu.vector_load %arg6[%get3A, %get3A_67] {strides = array<i32>} : memref<80x128xi32, #tpu.memory_space<vmem>>, vector<1x16xi32>,
        %get3A_69 = vector.shape_cast %get3A_68 : vector<1x16xi32> to vector<16xi32>
        %and3A = arith.constant 16383 : i32
        %and3A_70 = vector.broadcast %and3A : i32 to vector<16xi32>
        %and3A_71 = arith.andi %get3A_69, %and3A_70 : vector<16xi32>
        %swap3A = arith.index_cast %mul3A_66 : i32 to index
        %swap3A_72 = tpu.vector_load %arg7[%swap3A] {strides = array<i32>} : memref<128xi32, #tpu.memory_space<vmem>>, vector<16xi32>,
        %swap3A_73 = vector.shape_cast %swap3A_72 : vector<16xi32> to vector<16xi32>
        %swap3A_74 = vector.shape_cast %and3A_71 : vector<16xi32> to vector<16xi32>
        tpu.vector_store %arg7[%swap3A], %swap3A_74 {strides = array<i32>} : memref<128xi32, #tpu.memory_space<vmem>>, vector<16xi32>,
        %shift_right_logical3A = arith.constant 14 : i32
        %shift_right_logical3A_75 = vector.broadcast %shift_right_logical3A : i32 to vector<16xi32>
        %shift_right_logical3A_76 = arith.shrui %get3A_69, %shift_right_logical3A_75 : vector<16xi32>
        %swap3A_77 = arith.index_cast %mul3A_66 : i32 to index
        %swap3A_78 = tpu.vector_load %arg8[%swap3A_77] {strides = array<i32>} : memref<128xi32, #tpu.memory_space<vmem>>, vector<16xi32>,
        %swap3A_79 = vector.shape_cast %swap3A_78 : vector<16xi32> to vector<16xi32>
        %swap3A_80 = vector.shape_cast %shift_right_logical3A_76 : vector<16xi32> to vector<16xi32>
        tpu.vector_store %arg8[%swap3A_77], %swap3A_80 {strides = array<i32>} : memref<128xi32, #tpu.memory_space<vmem>>, vector<16xi32>,
      }
      %scan3A_57 = arith.constant 8 : i32
      %dma_wait3A_58 = arith.constant 0 : i32
      %dma_wait3A_59 = arith.constant 0 : i32
      %dma_wait3A_60 = tpu.memref_slice %arg2[%dma_wait3A_58, %dma_wait3A_59] : memref<10000x128xf32, #tpu.memory_space<hbm>> -> memref<10000x128xf32, #tpu.memory_space<hbm>>
      tpu.wait_indirect_dma semaphore(%arg14 : memref<!tpu.dma_semaphore, #tpu.memory_space<semaphore_mem>>) src(%dma_wait3A_60 : memref<10000x128xf32, #tpu.memory_space<hbm>>) dst(%arg12 : memref<128x128xf32, #tpu.memory_space<vmem>>)
      %dma_start3A_61 = arith.constant 0 : i32
      %dma_start3A_62 = arith.constant 0 : i32
      %dma_start3A_63 = tpu.memref_slice %arg2[%dma_start3A_61, %dma_start3A_62] : memref<10000x128xf32, #tpu.memory_space<hbm>> -> memref<10000x128xf32, #tpu.memory_space<hbm>>
      tpu.enqueue_indirect_dma source(%dma_start3A_63 : memref<10000x128xf32, #tpu.memory_space<hbm>>) target(%arg11 : memref<128x128xf32, #tpu.memory_space<vmem>>) offsets(%arg7 : memref<128xi32, #tpu.memory_space<vmem>>) semaphore(%arg14 : memref<!tpu.dma_semaphore, #tpu.memory_space<semaphore_mem>>)
      "tpu.region"() ({
        %run_scoped3A = tpu.sem_alloc : memref<!tpu.dma_semaphore, #tpu.memory_space<semaphore_mem>>
        %dma_start3A_64 = arith.constant 0 : i32
        %dma_start3A_65 = arith.constant 0 : i32
        %dma_start3A_66 = tpu.memref_slice %arg13[%dma_start3A_64, %dma_start3A_65] : memref<10128x128xf32, #tpu.memory_space<vmem_shared>> -> memref<10128x128xf32, #tpu.memory_space<vmem_shared>>
        tpu.enqueue_indirect_dma source(%arg12 : memref<128x128xf32, #tpu.memory_space<vmem>>) target(%dma_start3A_66 : memref<10128x128xf32, #tpu.memory_space<vmem_shared>>) offsets(%arg10 : memref<128xi32, #tpu.memory_space<vmem>>) semaphore(%run_scoped3A : memref<!tpu.dma_semaphore, #tpu.memory_space<semaphore_mem>>) {add = true}
        %dma_wait3A_67 = arith.constant 0 : i32
        %dma_wait3A_68 = arith.constant 0 : i32
        %dma_wait3A_69 = tpu.memref_slice %arg13[%dma_wait3A_67, %dma_wait3A_68] : memref<10128x128xf32, #tpu.memory_space<vmem_shared>> -> memref<10128x128xf32, #tpu.memory_space<vmem_shared>>
        tpu.wait_indirect_dma semaphore(%run_scoped3A : memref<!tpu.dma_semaphore, #tpu.memory_space<semaphore_mem>>) src(%arg12 : memref<128x128xf32, #tpu.memory_space<vmem>>) dst(%dma_wait3A_69 : memref<10128x128xf32, #tpu.memory_space<vmem_shared>>)
        tpu.yield
      }) : () -> ()
    }
    %scan3A_20 = arith.constant 40 : i32
    %dma_wait3A = arith.constant 0 : i32
    %dma_wait3A_21 = arith.constant 0 : i32
    %dma_wait3A_22 = tpu.memref_slice %arg2[%dma_wait3A, %dma_wait3A_21] : memref<10000x128xf32, #tpu.memory_space<hbm>> -> memref<10000x128xf32, #tpu.memory_space<hbm>>
    tpu.wait_indirect_dma semaphore(%arg14 : memref<!tpu.dma_semaphore, #tpu.memory_space<semaphore_mem>>) src(%dma_wait3A_22 : memref<10000x128xf32, #tpu.memory_space<hbm>>) dst(%arg11 : memref<128x128xf32, #tpu.memory_space<vmem>>)
    %barrier3A_23 = arith.constant 0 : index
    tpu.barrier barrier_id(%barrier3A_23)
    %mul3A_24 = arith.constant 624 : i32
    %mul3A_25 = arith.muli %arg1, %mul3A_24 : i32
    %multiple_of3A_26 = tpu.assume_multiple %mul3A_25, 8 : i32
    "tpu.region"() ({
      %run_scoped3A = tpu.sem_alloc : memref<!tpu.dma_semaphore, #tpu.memory_space<semaphore_mem>>
      %dma_start3A_32 = arith.constant 0 : i32
      %dma_start3A_33 = tpu.memref_slice %arg5[%arg0, %multiple_of3A_26, %dma_start3A_32] : memref<2x10000x128xf32, #tpu.memory_space<hbm>> -> memref<1x624x128xf32, #tpu.memory_space<hbm>>
      %dma_start3A_34 = tpu.memref_squeeze %dma_start3A_33 : memref<1x624x128xf32, #tpu.memory_space<hbm>> -> memref<624x128xf32, #tpu.memory_space<hbm>>
      %dma_start3A_35 = arith.constant 0 : i32
      %dma_start3A_36 = tpu.memref_slice %arg13[%multiple_of3A_26, %dma_start3A_35] : memref<10128x128xf32, #tpu.memory_space<vmem_shared>> -> memref<624x128xf32, #tpu.memory_space<vmem_shared>>
      tpu.enqueue_dma source(%dma_start3A_36 : memref<624x128xf32, #tpu.memory_space<vmem_shared>>) target(%dma_start3A_34 : memref<624x128xf32, #tpu.memory_space<hbm>>) target_semaphore(%run_scoped3A : memref<!tpu.dma_semaphore, #tpu.memory_space<semaphore_mem>>)
      %dma_wait3A_37 = arith.constant 0 : i32
      %dma_wait3A_38 = tpu.memref_slice %arg5[%arg0, %multiple_of3A_26, %dma_wait3A_37] : memref<2x10000x128xf32, #tpu.memory_space<hbm>> -> memref<1x624x128xf32, #tpu.memory_space<hbm>>
      %dma_wait3A_39 = tpu.memref_squeeze %dma_wait3A_38 : memref<1x624x128xf32, #tpu.memory_space<hbm>> -> memref<624x128xf32, #tpu.memory_space<hbm>>
      %dma_wait3A_40 = arith.constant 0 : i32
      %dma_wait3A_41 = tpu.memref_slice %arg13[%multiple_of3A_26, %dma_wait3A_40] : memref<10128x128xf32, #tpu.memory_space<vmem_shared>> -> memref<624x128xf32, #tpu.memory_space<vmem_shared>>
      tpu.wait_dma2 semaphore(%run_scoped3A : memref<!tpu.dma_semaphore, #tpu.memory_space<semaphore_mem>>) src(%dma_wait3A_41 : memref<624x128xf32, #tpu.memory_space<vmem_shared>>) dst(%dma_wait3A_39 : memref<624x128xf32, #tpu.memory_space<hbm>>)
      tpu.yield
    }) : () -> ()
    %eq3A_27 = arith.constant 15 : i32
    %eq3A_28 = arith.cmpi eq, %arg1, %eq3A_27 : i32
    %convert_element_type3A_29 = arith.extui %eq3A_28 : i1 to i32
    %cond3A_30 = arith.constant 0 : i32
    %cond3A_31 = arith.cmpi ne, %convert_element_type3A_29, %cond3A_30 : i32
    scf.if %cond3A_31 {
      "tpu.region"() ({
        %run_scoped3A = tpu.sem_alloc : memref<!tpu.dma_semaphore, #tpu.memory_space<semaphore_mem>>
        %dma_start3A_32 = arith.constant 9984 : i32
        %dma_start3A_33 = arith.constant 0 : i32
        %dma_start3A_34 = tpu.memref_slice %arg5[%arg0, %dma_start3A_32, %dma_start3A_33] : memref<2x10000x128xf32, #tpu.memory_space<hbm>> -> memref<1x16x128xf32, #tpu.memory_space<hbm>>
        %dma_start3A_35 = tpu.memref_squeeze %dma_start3A_34 : memref<1x16x128xf32, #tpu.memory_space<hbm>> -> memref<16x128xf32, #tpu.memory_space<hbm>>
        %dma_start3A_36 = arith.constant 9984 : i32
        %dma_start3A_37 = arith.constant 0 : i32
        %dma_start3A_38 = tpu.memref_slice %arg13[%dma_start3A_36, %dma_start3A_37] : memref<10128x128xf32, #tpu.memory_space<vmem_shared>> -> memref<16x128xf32, #tpu.memory_space<vmem_shared>>
        tpu.enqueue_dma source(%dma_start3A_38 : memref<16x128xf32, #tpu.memory_space<vmem_shared>>) target(%dma_start3A_35 : memref<16x128xf32, #tpu.memory_space<hbm>>) target_semaphore(%run_scoped3A : memref<!tpu.dma_semaphore, #tpu.memory_space<semaphore_mem>>)
        %dma_wait3A_39 = arith.constant 9984 : i32
        %dma_wait3A_40 = arith.constant 0 : i32
        %dma_wait3A_41 = tpu.memref_slice %arg5[%arg0, %dma_wait3A_39, %dma_wait3A_40] : memref<2x10000x128xf32, #tpu.memory_space<hbm>> -> memref<1x16x128xf32, #tpu.memory_space<hbm>>
        %dma_wait3A_42 = tpu.memref_squeeze %dma_wait3A_41 : memref<1x16x128xf32, #tpu.memory_space<hbm>> -> memref<16x128xf32, #tpu.memory_space<hbm>>
        %dma_wait3A_43 = arith.constant 9984 : i32
        %dma_wait3A_44 = arith.constant 0 : i32
        %dma_wait3A_45 = tpu.memref_slice %arg13[%dma_wait3A_43, %dma_wait3A_44] : memref<10128x128xf32, #tpu.memory_space<vmem_shared>> -> memref<16x128xf32, #tpu.memory_space<vmem_shared>>
        tpu.wait_dma2 semaphore(%run_scoped3A : memref<!tpu.dma_semaphore, #tpu.memory_space<semaphore_mem>>) src(%dma_wait3A_45 : memref<16x128xf32, #tpu.memory_space<vmem_shared>>) dst(%dma_wait3A_42 : memref<16x128xf32, #tpu.memory_space<hbm>>)
        tpu.yield
      }) : () -> ()
    } else {
    }
    return
  }
}

module attributes {stable_mosaic.version = 14 : i64} {
  func.func @_x0_body(%arg0: i32, %arg1: memref<1000x1xi32, #tpu.memory_space<vmem>>, %arg2: memref<1000x8xf32, #tpu.memory_space<vmem>>, %arg3: memref<128x128xf32, #tpu.memory_space<vmem>>, %arg4: memref<8x128xf32, #tpu.memory_space<vmem>>, %arg5: memref<1x128xf32, #tpu.memory_space<vmem>>, %arg6: memref<128x128xf32, #tpu.memory_space<vmem>>, %arg7: memref<128x128xf32, #tpu.memory_space<vmem>>, %arg8: memref<1x128xf32, #tpu.memory_space<vmem>>, %arg9: memref<1000x128xf32, #tpu.memory_space<vmem>>) attributes {dimension_semantics = [#tpu.dimension_semantics<arbitrary>], iteration_bounds = array<i64: 10>, scalar_prefetch = 0 : i64, scratch_operands = 0 : i64, tpu.core_type = #tpu.core_type<tc>, window_params = [{transform_indices = @transform_0, window_bounds = array<i64: 1000, 1>}, {transform_indices = @transform_1, window_bounds = array<i64: 1000, 8>}, {pipeline_mode = #tpu.pipeline_mode<synchronous>, transform_indices = @transform_2, window_bounds = array<i64: 128, 128>}, {pipeline_mode = #tpu.pipeline_mode<synchronous>, transform_indices = @transform_3, window_bounds = array<i64: 8, 128>}, {pipeline_mode = #tpu.pipeline_mode<synchronous>, transform_indices = @transform_4, window_bounds = array<i64: 1, 128>}, {pipeline_mode = #tpu.pipeline_mode<synchronous>, transform_indices = @transform_5, window_bounds = array<i64: 128, 128>}, {pipeline_mode = #tpu.pipeline_mode<synchronous>, transform_indices = @transform_6, window_bounds = array<i64: 128, 128>}, {pipeline_mode = #tpu.pipeline_mode<synchronous>, transform_indices = @transform_7, window_bounds = array<i64: 1, 128>}, {transform_indices = @transform_8, window_bounds = array<i64: 1000, 128>}]} {
    %get3A = arith.constant 0 : index
    %get3A_0 = arith.constant 0 : index
    %get3A_1 = vector.load %arg1[%get3A, %get3A_0] : memref<1000x1xi32, #tpu.memory_space<vmem>>, vector<1000x1xi32>
    %iota3A = tpu.iota {dimensions = array<i32: 1>} : vector<1000x128xi32>
    %eq3A = vector.broadcast %get3A_1 : vector<1000x1xi32> to vector<1000x128xi32>
    %eq3A_2 = arith.cmpi eq, %iota3A, %eq3A : vector<1000x128xi32>
    %convert_element_type3A = arith.extui %eq3A_2 : vector<1000x128xi1> to vector<1000x128xi32>
    %convert_element_type3A_3 = arith.sitofp %convert_element_type3A : vector<1000x128xi32> to vector<1000x128xf32>
    %get3A_4 = arith.constant 0 : index
    %get3A_5 = arith.constant 0 : index
    %get3A_6 = vector.load %arg3[%get3A_4, %get3A_5] : memref<128x128xf32, #tpu.memory_space<vmem>>, vector<128x128xf32>
    %dot_general3A = arith.constant dense<0.000000e+00> : vector<1000x128xf32>
    %dot_general3A_7 = tpu.matmul %convert_element_type3A_3, %get3A_6, %dot_general3A {dimension_numbers = #tpu.dot_dimension_numbers<[1], [0], [0], [1], [0, 0, 1, 1], [], []>, precision = #tpu.contract_precision<fp32>, transpose_lhs_hint = false} : vector<1000x128xf32>, vector<128x128xf32>, vector<1000x128xf32> -> vector<1000x128xf32>
    %get3A_8 = arith.constant 0 : index
    %get3A_9 = arith.constant 0 : index
    %get3A_10 = vector.load %arg2[%get3A_8, %get3A_9] : memref<1000x8xf32, #tpu.memory_space<vmem>>, vector<1000x8xf32>
    %get3A_11 = arith.constant 0 : index
    %get3A_12 = arith.constant 0 : index
    %get3A_13 = vector.load %arg4[%get3A_11, %get3A_12] : memref<8x128xf32, #tpu.memory_space<vmem>>, vector<8x128xf32>
    %dot_general3A_14 = arith.constant dense<0.000000e+00> : vector<1000x128xf32>
    %dot_general3A_15 = tpu.matmul %get3A_10, %get3A_13, %dot_general3A_14 {dimension_numbers = #tpu.dot_dimension_numbers<[1], [0], [0], [1], [0, 0, 1, 1], [], []>, transpose_lhs_hint = false} : vector<1000x8xf32>, vector<8x128xf32>, vector<1000x128xf32> -> vector<1000x128xf32>
    %get3A_16 = arith.constant 0 : index
    %get3A_17 = arith.constant 0 : index
    %get3A_18 = vector.load %arg5[%get3A_16, %get3A_17] : memref<1x128xf32, #tpu.memory_space<vmem>>, vector<1x128xf32>
    %add3A = vector.broadcast %get3A_18 : vector<1x128xf32> to vector<1000x128xf32>
    %add3A_19 = arith.addf %dot_general3A_15, %add3A : vector<1000x128xf32>
    %get3A_20 = arith.constant 0 : index
    %get3A_21 = arith.constant 0 : index
    %get3A_22 = vector.load %arg6[%get3A_20, %get3A_21] : memref<128x128xf32, #tpu.memory_space<vmem>>, vector<128x128xf32>
    %dot_general3A_23 = arith.constant dense<0.000000e+00> : vector<1000x128xf32>
    %dot_general3A_24 = tpu.matmul %dot_general3A_7, %get3A_22, %dot_general3A_23 {dimension_numbers = #tpu.dot_dimension_numbers<[1], [0], [0], [1], [0, 0, 1, 1], [], []>, transpose_lhs_hint = false} : vector<1000x128xf32>, vector<128x128xf32>, vector<1000x128xf32> -> vector<1000x128xf32>
    %get3A_25 = arith.constant 0 : index
    %get3A_26 = arith.constant 0 : index
    %get3A_27 = vector.load %arg7[%get3A_25, %get3A_26] : memref<128x128xf32, #tpu.memory_space<vmem>>, vector<128x128xf32>
    %dot_general3A_28 = arith.constant dense<0.000000e+00> : vector<1000x128xf32>
    %dot_general3A_29 = tpu.matmul %add3A_19, %get3A_27, %dot_general3A_28 {dimension_numbers = #tpu.dot_dimension_numbers<[1], [0], [0], [1], [0, 0, 1, 1], [], []>, transpose_lhs_hint = false} : vector<1000x128xf32>, vector<128x128xf32>, vector<1000x128xf32> -> vector<1000x128xf32>
    %add3A_30 = arith.addf %dot_general3A_24, %dot_general3A_29 : vector<1000x128xf32>
    %get3A_31 = arith.constant 0 : index
    %get3A_32 = arith.constant 0 : index
    %get3A_33 = vector.load %arg8[%get3A_31, %get3A_32] : memref<1x128xf32, #tpu.memory_space<vmem>>, vector<1x128xf32>
    %add3A_34 = vector.broadcast %get3A_33 : vector<1x128xf32> to vector<1000x128xf32>
    %add3A_35 = arith.addf %add3A_30, %add3A_34 : vector<1000x128xf32>
    %max3A = arith.constant 0.000000e+00 : f32
    %max3A_36 = vector.broadcast %max3A : f32 to vector<1000x128xf32>
    %max3A_37 = arith.maximumf %add3A_35, %max3A_36 : vector<1000x128xf32>
    %swap3A = arith.constant 0 : index
    %swap3A_38 = arith.constant 0 : index
    %swap3A_39 = vector.load %arg9[%swap3A, %swap3A_38] : memref<1000x128xf32, #tpu.memory_space<vmem>>, vector<1000x128xf32>
    tpu.vector_store %arg9[%swap3A, %swap3A_38], %max3A_37 {strides = array<i32>} : memref<1000x128xf32, #tpu.memory_space<vmem>>, vector<1000x128xf32>,
    return
  }
  func.func @transform_0(%arg0: i32) -> (i32, i32) {
    %c0_i32 = arith.constant 0 : i32
    %c0_i32_0 = arith.constant 0 : i32
    return %arg0, %c0_i32 : i32, i32
  }
  func.func @transform_1(%arg0: i32) -> (i32, i32) {
    %c0_i32 = arith.constant 0 : i32
    %c0_i32_0 = arith.constant 0 : i32
    return %arg0, %c0_i32 : i32, i32
  }
  func.func @transform_2(%arg0: i32) -> (i32, i32) {
    %c0_i32 = arith.constant 0 : i32
    %c0_i32_0 = arith.constant 0 : i32
    %c0_i32_1 = arith.constant 0 : i32
    return %c0_i32, %c0_i32_0 : i32, i32
  }
  func.func @transform_3(%arg0: i32) -> (i32, i32) {
    %c0_i32 = arith.constant 0 : i32
    %c0_i32_0 = arith.constant 0 : i32
    %c0_i32_1 = arith.constant 0 : i32
    return %c0_i32, %c0_i32_0 : i32, i32
  }
  func.func @transform_4(%arg0: i32) -> (i32, i32) {
    %c0_i32 = arith.constant 0 : i32
    %c0_i32_0 = arith.constant 0 : i32
    %c0_i32_1 = arith.constant 0 : i32
    return %c0_i32, %c0_i32_0 : i32, i32
  }
  func.func @transform_5(%arg0: i32) -> (i32, i32) {
    %c0_i32 = arith.constant 0 : i32
    %c0_i32_0 = arith.constant 0 : i32
    %c0_i32_1 = arith.constant 0 : i32
    return %c0_i32, %c0_i32_0 : i32, i32
  }
  func.func @transform_6(%arg0: i32) -> (i32, i32) {
    %c0_i32 = arith.constant 0 : i32
    %c0_i32_0 = arith.constant 0 : i32
    %c0_i32_1 = arith.constant 0 : i32
    return %c0_i32, %c0_i32_0 : i32, i32
  }
  func.func @transform_7(%arg0: i32) -> (i32, i32) {
    %c0_i32 = arith.constant 0 : i32
    %c0_i32_0 = arith.constant 0 : i32
    %c0_i32_1 = arith.constant 0 : i32
    return %c0_i32, %c0_i32_0 : i32, i32
  }
  func.func @transform_8(%arg0: i32) -> (i32, i32) {
    %c0_i32 = arith.constant 0 : i32
    %c0_i32_0 = arith.constant 0 : i32
    return %arg0, %c0_i32 : i32, i32
  }
}

module attributes {stable_mosaic.version = 14 : i64} {
  func.func @_mlp_body(%arg0: i32, %arg1: memref<1000x128xf32, #tpu.memory_space<vmem>>, %arg2: memref<2x1000x128xf32, #tpu.memory_space<vmem>>, %arg3: memref<128x128xf32, #tpu.memory_space<vmem>>, %arg4: memref<1x128xf32, #tpu.memory_space<vmem>>, %arg5: memref<128x128xf32, #tpu.memory_space<vmem>>, %arg6: memref<1x128xf32, #tpu.memory_space<vmem>>, %arg7: memref<1000x128xf32, #tpu.memory_space<vmem>>) attributes {dimension_semantics = [#tpu.dimension_semantics<arbitrary>], iteration_bounds = array<i64: 10>, scalar_prefetch = 0 : i64, scratch_operands = 0 : i64, tpu.core_type = #tpu.core_type<tc>, window_params = [{transform_indices = @transform_0, window_bounds = array<i64: 1000, 128>}, {transform_indices = @transform_1, window_bounds = array<i64: 2, 1000, 128>}, {pipeline_mode = #tpu.pipeline_mode<synchronous>, transform_indices = @transform_2, window_bounds = array<i64: 128, 128>}, {pipeline_mode = #tpu.pipeline_mode<synchronous>, transform_indices = @transform_3, window_bounds = array<i64: 1, 128>}, {pipeline_mode = #tpu.pipeline_mode<synchronous>, transform_indices = @transform_4, window_bounds = array<i64: 128, 128>}, {pipeline_mode = #tpu.pipeline_mode<synchronous>, transform_indices = @transform_5, window_bounds = array<i64: 1, 128>}, {transform_indices = @transform_6, window_bounds = array<i64: 1000, 128>}]} {
    %get3A = arith.constant 0 : index
    %get3A_0 = arith.constant 0 : index
    %get3A_1 = vector.load %arg1[%get3A, %get3A_0] : memref<1000x128xf32, #tpu.memory_space<vmem>>, vector<1000x128xf32>
    %get3A_2 = arith.constant 0 : index
    %get3A_3 = arith.constant 0 : index
    %get3A_4 = arith.constant 0 : index
    %get3A_5 = vector.load %arg2[%get3A_2, %get3A_3, %get3A_4] : memref<2x1000x128xf32, #tpu.memory_space<vmem>>, vector<1x1000x128xf32>
    %get3A_6 = vector.shape_cast %get3A_5 : vector<1x1000x128xf32> to vector<1000x128xf32>
    %add3A = arith.addf %get3A_1, %get3A_6 : vector<1000x128xf32>
    %get3A_7 = arith.constant 1 : index
    %get3A_8 = arith.constant 0 : index
    %get3A_9 = arith.constant 0 : index
    %get3A_10 = vector.load %arg2[%get3A_7, %get3A_8, %get3A_9] : memref<2x1000x128xf32, #tpu.memory_space<vmem>>, vector<1x1000x128xf32>
    %get3A_11 = vector.shape_cast %get3A_10 : vector<1x1000x128xf32> to vector<1000x128xf32>
    %add3A_12 = arith.addf %add3A, %get3A_11 : vector<1000x128xf32>
    %get3A_13 = arith.constant 0 : index
    %get3A_14 = arith.constant 0 : index
    %get3A_15 = vector.load %arg3[%get3A_13, %get3A_14] : memref<128x128xf32, #tpu.memory_space<vmem>>, vector<128x128xf32>
    %dot_general3A = arith.constant dense<0.000000e+00> : vector<1000x128xf32>
    %dot_general3A_16 = tpu.matmul %add3A_12, %get3A_15, %dot_general3A {dimension_numbers = #tpu.dot_dimension_numbers<[1], [0], [0], [1], [0, 0, 1, 1], [], []>, transpose_lhs_hint = false} : vector<1000x128xf32>, vector<128x128xf32>, vector<1000x128xf32> -> vector<1000x128xf32>
    %get3A_17 = arith.constant 0 : index
    %get3A_18 = arith.constant 0 : index
    %get3A_19 = vector.load %arg4[%get3A_17, %get3A_18] : memref<1x128xf32, #tpu.memory_space<vmem>>, vector<1x128xf32>
    %add3A_20 = vector.broadcast %get3A_19 : vector<1x128xf32> to vector<1000x128xf32>
    %add3A_21 = arith.addf %dot_general3A_16, %add3A_20 : vector<1000x128xf32>
    %max3A = arith.constant 0.000000e+00 : f32
    %max3A_22 = vector.broadcast %max3A : f32 to vector<1000x128xf32>
    %max3A_23 = arith.maximumf %add3A_21, %max3A_22 : vector<1000x128xf32>
    %get3A_24 = arith.constant 0 : index
    %get3A_25 = arith.constant 0 : index
    %get3A_26 = vector.load %arg5[%get3A_24, %get3A_25] : memref<128x128xf32, #tpu.memory_space<vmem>>, vector<128x128xf32>
    %dot_general3A_27 = arith.constant dense<0.000000e+00> : vector<1000x128xf32>
    %dot_general3A_28 = tpu.matmul %max3A_23, %get3A_26, %dot_general3A_27 {dimension_numbers = #tpu.dot_dimension_numbers<[1], [0], [0], [1], [0, 0, 1, 1], [], []>, transpose_lhs_hint = false} : vector<1000x128xf32>, vector<128x128xf32>, vector<1000x128xf32> -> vector<1000x128xf32>
    %get3A_29 = arith.constant 0 : index
    %get3A_30 = arith.constant 0 : index
    %get3A_31 = vector.load %arg6[%get3A_29, %get3A_30] : memref<1x128xf32, #tpu.memory_space<vmem>>, vector<1x128xf32>
    %add3A_32 = vector.broadcast %get3A_31 : vector<1x128xf32> to vector<1000x128xf32>
    %add3A_33 = arith.addf %dot_general3A_28, %add3A_32 : vector<1000x128xf32>
    %max3A_34 = arith.constant 0.000000e+00 : f32
    %max3A_35 = vector.broadcast %max3A_34 : f32 to vector<1000x128xf32>
    %max3A_36 = arith.maximumf %add3A_33, %max3A_35 : vector<1000x128xf32>
    %swap3A = arith.constant 0 : index
    %swap3A_37 = arith.constant 0 : index
    %swap3A_38 = vector.load %arg7[%swap3A, %swap3A_37] : memref<1000x128xf32, #tpu.memory_space<vmem>>, vector<1000x128xf32>
    tpu.vector_store %arg7[%swap3A, %swap3A_37], %max3A_36 {strides = array<i32>} : memref<1000x128xf32, #tpu.memory_space<vmem>>, vector<1000x128xf32>,
    return
  }
  func.func @transform_0(%arg0: i32) -> (i32, i32) {
    %c0_i32 = arith.constant 0 : i32
    %c0_i32_0 = arith.constant 0 : i32
    return %arg0, %c0_i32 : i32, i32
  }
  func.func @transform_1(%arg0: i32) -> (i32, i32, i32) {
    %c0_i32 = arith.constant 0 : i32
    %c0_i32_0 = arith.constant 0 : i32
    %c0_i32_1 = arith.constant 0 : i32
    return %c0_i32, %arg0, %c0_i32_0 : i32, i32, i32
  }
  func.func @transform_2(%arg0: i32) -> (i32, i32) {
    %c0_i32 = arith.constant 0 : i32
    %c0_i32_0 = arith.constant 0 : i32
    %c0_i32_1 = arith.constant 0 : i32
    return %c0_i32, %c0_i32_0 : i32, i32
  }
  func.func @transform_3(%arg0: i32) -> (i32, i32) {
    %c0_i32 = arith.constant 0 : i32
    %c0_i32_0 = arith.constant 0 : i32
    %c0_i32_1 = arith.constant 0 : i32
    return %c0_i32, %c0_i32_0 : i32, i32
  }
  func.func @transform_4(%arg0: i32) -> (i32, i32) {
    %c0_i32 = arith.constant 0 : i32
    %c0_i32_0 = arith.constant 0 : i32
    %c0_i32_1 = arith.constant 0 : i32
    return %c0_i32, %c0_i32_0 : i32, i32
  }
  func.func @transform_5(%arg0: i32) -> (i32, i32) {
    %c0_i32 = arith.constant 0 : i32
    %c0_i32_0 = arith.constant 0 : i32
    %c0_i32_1 = arith.constant 0 : i32
    return %c0_i32, %c0_i32_0 : i32, i32
  }
  func.func @transform_6(%arg0: i32) -> (i32, i32) {
    %c0_i32 = arith.constant 0 : i32
    %c0_i32_0 = arith.constant 0 : i32
    return %arg0, %c0_i32 : i32, i32
  }
}

module attributes {stable_mosaic.version = 14 : i64} {
  func.func @_mlp_body(%arg0: i32, %arg1: memref<1000x128xf32, #tpu.memory_space<vmem>>, %arg2: memref<2x1000x128xf32, #tpu.memory_space<vmem>>, %arg3: memref<128x128xf32, #tpu.memory_space<vmem>>, %arg4: memref<1x128xf32, #tpu.memory_space<vmem>>, %arg5: memref<128x128xf32, #tpu.memory_space<vmem>>, %arg6: memref<1x128xf32, #tpu.memory_space<vmem>>, %arg7: memref<1000x128xf32, #tpu.memory_space<vmem>>) attributes {dimension_semantics = [#tpu.dimension_semantics<arbitrary>], iteration_bounds = array<i64: 10>, scalar_prefetch = 0 : i64, scratch_operands = 0 : i64, tpu.core_type = #tpu.core_type<tc>, window_params = [{transform_indices = @transform_0, window_bounds = array<i64: 1000, 128>}, {transform_indices = @transform_1, window_bounds = array<i64: 2, 1000, 128>}, {pipeline_mode = #tpu.pipeline_mode<synchronous>, transform_indices = @transform_2, window_bounds = array<i64: 128, 128>}, {pipeline_mode = #tpu.pipeline_mode<synchronous>, transform_indices = @transform_3, window_bounds = array<i64: 1, 128>}, {pipeline_mode = #tpu.pipeline_mode<synchronous>, transform_indices = @transform_4, window_bounds = array<i64: 128, 128>}, {pipeline_mode = #tpu.pipeline_mode<synchronous>, transform_indices = @transform_5, window_bounds = array<i64: 1, 128>}, {transform_indices = @transform_6, window_bounds = array<i64: 1000, 128>}]} {
    %get3A = arith.constant 0 : index
    %get3A_0 = arith.constant 0 : index
    %get3A_1 = vector.load %arg1[%get3A, %get3A_0] : memref<1000x128xf32, #tpu.memory_space<vmem>>, vector<1000x128xf32>
    %get3A_2 = arith.constant 0 : index
    %get3A_3 = arith.constant 0 : index
    %get3A_4 = arith.constant 0 : index
    %get3A_5 = vector.load %arg2[%get3A_2, %get3A_3, %get3A_4] : memref<2x1000x128xf32, #tpu.memory_space<vmem>>, vector<1x1000x128xf32>
    %get3A_6 = vector.shape_cast %get3A_5 : vector<1x1000x128xf32> to vector<1000x128xf32>
    %add3A = arith.addf %get3A_1, %get3A_6 : vector<1000x128xf32>
    %get3A_7 = arith.constant 1 : index
    %get3A_8 = arith.constant 0 : index
    %get3A_9 = arith.constant 0 : index
    %get3A_10 = vector.load %arg2[%get3A_7, %get3A_8, %get3A_9] : memref<2x1000x128xf32, #tpu.memory_space<vmem>>, vector<1x1000x128xf32>
    %get3A_11 = vector.shape_cast %get3A_10 : vector<1x1000x128xf32> to vector<1000x128xf32>
    %add3A_12 = arith.addf %add3A, %get3A_11 : vector<1000x128xf32>
    %get3A_13 = arith.constant 0 : index
    %get3A_14 = arith.constant 0 : index
    %get3A_15 = vector.load %arg3[%get3A_13, %get3A_14] : memref<128x128xf32, #tpu.memory_space<vmem>>, vector<128x128xf32>
    %dot_general3A = arith.constant dense<0.000000e+00> : vector<1000x128xf32>
    %dot_general3A_16 = tpu.matmul %add3A_12, %get3A_15, %dot_general3A {dimension_numbers = #tpu.dot_dimension_numbers<[1], [0], [0], [1], [0, 0, 1, 1], [], []>, transpose_lhs_hint = false} : vector<1000x128xf32>, vector<128x128xf32>, vector<1000x128xf32> -> vector<1000x128xf32>
    %get3A_17 = arith.constant 0 : index
    %get3A_18 = arith.constant 0 : index
    %get3A_19 = vector.load %arg4[%get3A_17, %get3A_18] : memref<1x128xf32, #tpu.memory_space<vmem>>, vector<1x128xf32>
    %add3A_20 = vector.broadcast %get3A_19 : vector<1x128xf32> to vector<1000x128xf32>
    %add3A_21 = arith.addf %dot_general3A_16, %add3A_20 : vector<1000x128xf32>
    %max3A = arith.constant 0.000000e+00 : f32
    %max3A_22 = vector.broadcast %max3A : f32 to vector<1000x128xf32>
    %max3A_23 = arith.maximumf %add3A_21, %max3A_22 : vector<1000x128xf32>
    %get3A_24 = arith.constant 0 : index
    %get3A_25 = arith.constant 0 : index
    %get3A_26 = vector.load %arg5[%get3A_24, %get3A_25] : memref<128x128xf32, #tpu.memory_space<vmem>>, vector<128x128xf32>
    %dot_general3A_27 = arith.constant dense<0.000000e+00> : vector<1000x128xf32>
    %dot_general3A_28 = tpu.matmul %max3A_23, %get3A_26, %dot_general3A_27 {dimension_numbers = #tpu.dot_dimension_numbers<[1], [0], [0], [1], [0, 0, 1, 1], [], []>, transpose_lhs_hint = false} : vector<1000x128xf32>, vector<128x128xf32>, vector<1000x128xf32> -> vector<1000x128xf32>
    %get3A_29 = arith.constant 0 : index
    %get3A_30 = arith.constant 0 : index
    %get3A_31 = vector.load %arg6[%get3A_29, %get3A_30] : memref<1x128xf32, #tpu.memory_space<vmem>>, vector<1x128xf32>
    %add3A_32 = vector.broadcast %get3A_31 : vector<1x128xf32> to vector<1000x128xf32>
    %add3A_33 = arith.addf %dot_general3A_28, %add3A_32 : vector<1000x128xf32>
    %swap3A = arith.constant 0 : index
    %swap3A_34 = arith.constant 0 : index
    %swap3A_35 = vector.load %arg7[%swap3A, %swap3A_34] : memref<1000x128xf32, #tpu.memory_space<vmem>>, vector<1000x128xf32>
    tpu.vector_store %arg7[%swap3A, %swap3A_34], %add3A_33 {strides = array<i32>} : memref<1000x128xf32, #tpu.memory_space<vmem>>, vector<1000x128xf32>,
    return
  }
  func.func @transform_0(%arg0: i32) -> (i32, i32) {
    %c0_i32 = arith.constant 0 : i32
    %c0_i32_0 = arith.constant 0 : i32
    return %arg0, %c0_i32 : i32, i32
  }
  func.func @transform_1(%arg0: i32) -> (i32, i32, i32) {
    %c0_i32 = arith.constant 0 : i32
    %c0_i32_0 = arith.constant 0 : i32
    %c0_i32_1 = arith.constant 0 : i32
    return %c0_i32, %arg0, %c0_i32_0 : i32, i32, i32
  }
  func.func @transform_2(%arg0: i32) -> (i32, i32) {
    %c0_i32 = arith.constant 0 : i32
    %c0_i32_0 = arith.constant 0 : i32
    %c0_i32_1 = arith.constant 0 : i32
    return %c0_i32, %c0_i32_0 : i32, i32
  }
  func.func @transform_3(%arg0: i32) -> (i32, i32) {
    %c0_i32 = arith.constant 0 : i32
    %c0_i32_0 = arith.constant 0 : i32
    %c0_i32_1 = arith.constant 0 : i32
    return %c0_i32, %c0_i32_0 : i32, i32
  }
  func.func @transform_4(%arg0: i32) -> (i32, i32) {
    %c0_i32 = arith.constant 0 : i32
    %c0_i32_0 = arith.constant 0 : i32
    %c0_i32_1 = arith.constant 0 : i32
    return %c0_i32, %c0_i32_0 : i32, i32
  }
  func.func @transform_5(%arg0: i32) -> (i32, i32) {
    %c0_i32 = arith.constant 0 : i32
    %c0_i32_0 = arith.constant 0 : i32
    %c0_i32_1 = arith.constant 0 : i32
    return %c0_i32, %c0_i32_0 : i32, i32
  }
  func.func @transform_6(%arg0: i32) -> (i32, i32) {
    %c0_i32 = arith.constant 0 : i32
    %c0_i32_0 = arith.constant 0 : i32
    return %arg0, %c0_i32 : i32, i32
  }
}

module attributes {stable_mosaic.version = 14 : i64} {
  func.func @_pool_body(%arg0: i32, %arg1: memref<1000x128xf32, #tpu.memory_space<vmem>>, %arg2: memref<1x1x1000xi32, #tpu.memory_space<vmem>>, %arg3: memref<128x128xf32, #tpu.memory_space<vmem>>, %arg4: memref<1x128xf32, #tpu.memory_space<vmem>>, %arg5: memref<128x128xf32, #tpu.memory_space<vmem>>, %arg6: memref<1x128xf32, #tpu.memory_space<vmem>>, %arg7: memref<256x128xf32, #tpu.memory_space<vmem>>, %arg8: memref<256x128xf32, #tpu.memory_space<vmem>>) attributes {dimension_semantics = [#tpu.dimension_semantics<arbitrary>], iteration_bounds = array<i64: 10>, scalar_prefetch = 0 : i64, scratch_operands = 1 : i64, tpu.core_type = #tpu.core_type<tc>, window_params = [{transform_indices = @transform_0, window_bounds = array<i64: 1000, 128>}, {transform_indices = @transform_1, window_bounds = array<i64: 1, 1, 1000>}, {pipeline_mode = #tpu.pipeline_mode<synchronous>, transform_indices = @transform_2, window_bounds = array<i64: 128, 128>}, {pipeline_mode = #tpu.pipeline_mode<synchronous>, transform_indices = @transform_3, window_bounds = array<i64: 1, 128>}, {pipeline_mode = #tpu.pipeline_mode<synchronous>, transform_indices = @transform_4, window_bounds = array<i64: 128, 128>}, {pipeline_mode = #tpu.pipeline_mode<synchronous>, transform_indices = @transform_5, window_bounds = array<i64: 1, 128>}, {pipeline_mode = #tpu.pipeline_mode<synchronous>, transform_indices = @transform_6, window_bounds = array<i64: 256, 128>}]} {
    %eq3A = arith.constant 0 : i32
    %eq3A_0 = arith.cmpi eq, %arg0, %eq3A : i32
    %convert_element_type3A = arith.extui %eq3A_0 : i1 to i32
    %cond3A = arith.constant 0 : i32
    %cond3A_1 = arith.cmpi ne, %convert_element_type3A, %cond3A : i32
    scf.if %cond3A_1 {
      %broadcast_in_dim3A = arith.constant 0.000000e+00 : f32
      %broadcast_in_dim3A_24 = vector.broadcast %broadcast_in_dim3A : f32 to vector<256x128xf32>
      %swap3A_25 = arith.constant 0 : index
      %swap3A_26 = arith.constant 0 : index
      %swap3A_27 = vector.load %arg8[%swap3A_25, %swap3A_26] : memref<256x128xf32, #tpu.memory_space<vmem>>, vector<256x128xf32>
      tpu.vector_store %arg8[%swap3A_25, %swap3A_26], %broadcast_in_dim3A_24 {strides = array<i32>} : memref<256x128xf32, #tpu.memory_space<vmem>>, vector<256x128xf32>,
    } else {
    }
    %get3A = arith.constant 0 : index
    %get3A_2 = arith.constant 0 : index
    %get3A_3 = arith.constant 0 : index
    %get3A_4 = vector.load %arg2[%get3A, %get3A_2, %get3A_3] : memref<1x1x1000xi32, #tpu.memory_space<vmem>>, vector<1x1x1000xi32>
    %get3A_5 = vector.shape_cast %get3A_4 : vector<1x1x1000xi32> to vector<1x1000xi32>
    %iota3A = tpu.iota {dimensions = array<i32: 0>} : vector<256x1000xi32>
    %eq3A_6 = vector.broadcast %get3A_5 : vector<1x1000xi32> to vector<256x1000xi32>
    %eq3A_7 = arith.cmpi eq, %iota3A, %eq3A_6 : vector<256x1000xi32>
    %convert_element_type3A_8 = arith.extui %eq3A_7 : vector<256x1000xi1> to vector<256x1000xi32>
    %convert_element_type3A_9 = arith.sitofp %convert_element_type3A_8 : vector<256x1000xi32> to vector<256x1000xf32>
    %get3A_10 = arith.constant 0 : index
    %get3A_11 = arith.constant 0 : index
    %get3A_12 = vector.load %arg8[%get3A_10, %get3A_11] : memref<256x128xf32, #tpu.memory_space<vmem>>, vector<256x128xf32>
    %get3A_13 = arith.constant 0 : index
    %get3A_14 = arith.constant 0 : index
    %get3A_15 = vector.load %arg1[%get3A_13, %get3A_14] : memref<1000x128xf32, #tpu.memory_space<vmem>>, vector<1000x128xf32>
    %dot_general3A = arith.constant dense<0.000000e+00> : vector<256x128xf32>
    %dot_general3A_16 = tpu.matmul %convert_element_type3A_9, %get3A_15, %dot_general3A {dimension_numbers = #tpu.dot_dimension_numbers<[1], [0], [0], [1], [0, 0, 1, 1], [], []>, precision = #tpu.contract_precision<fp32>, transpose_lhs_hint = false} : vector<256x1000xf32>, vector<1000x128xf32>, vector<256x128xf32> -> vector<256x128xf32>
    %add3A = arith.addf %get3A_12, %dot_general3A_16 : vector<256x128xf32>
    %swap3A = arith.constant 0 : index
    %swap3A_17 = arith.constant 0 : index
    %swap3A_18 = vector.load %arg8[%swap3A, %swap3A_17] : memref<256x128xf32, #tpu.memory_space<vmem>>, vector<256x128xf32>
    tpu.vector_store %arg8[%swap3A, %swap3A_17], %add3A {strides = array<i32>} : memref<256x128xf32, #tpu.memory_space<vmem>>, vector<256x128xf32>,
    %eq3A_19 = arith.constant 9 : i32
    %eq3A_20 = arith.cmpi eq, %arg0, %eq3A_19 : i32
    %convert_element_type3A_21 = arith.extui %eq3A_20 : i1 to i32
    %cond3A_22 = arith.constant 0 : i32
    %cond3A_23 = arith.cmpi ne, %convert_element_type3A_21, %cond3A_22 : i32
    scf.if %cond3A_23 {
      %get3A_24 = arith.constant 0 : index
      %get3A_25 = arith.constant 0 : index
      %get3A_26 = vector.load %arg8[%get3A_24, %get3A_25] : memref<256x128xf32, #tpu.memory_space<vmem>>, vector<256x128xf32>
      %get3A_27 = arith.constant 0 : index
      %get3A_28 = arith.constant 0 : index
      %get3A_29 = vector.load %arg3[%get3A_27, %get3A_28] : memref<128x128xf32, #tpu.memory_space<vmem>>, vector<128x128xf32>
      %dot_general3A_30 = arith.constant dense<0.000000e+00> : vector<256x128xf32>
      %dot_general3A_31 = tpu.matmul %get3A_26, %get3A_29, %dot_general3A_30 {dimension_numbers = #tpu.dot_dimension_numbers<[1], [0], [0], [1], [0, 0, 1, 1], [], []>, transpose_lhs_hint = false} : vector<256x128xf32>, vector<128x128xf32>, vector<256x128xf32> -> vector<256x128xf32>
      %get3A_32 = arith.constant 0 : index
      %get3A_33 = arith.constant 0 : index
      %get3A_34 = vector.load %arg4[%get3A_32, %get3A_33] : memref<1x128xf32, #tpu.memory_space<vmem>>, vector<1x128xf32>
      %add3A_35 = vector.broadcast %get3A_34 : vector<1x128xf32> to vector<256x128xf32>
      %add3A_36 = arith.addf %dot_general3A_31, %add3A_35 : vector<256x128xf32>
      %max3A = arith.constant 0.000000e+00 : f32
      %max3A_37 = vector.broadcast %max3A : f32 to vector<256x128xf32>
      %max3A_38 = arith.maximumf %add3A_36, %max3A_37 : vector<256x128xf32>
      %get3A_39 = arith.constant 0 : index
      %get3A_40 = arith.constant 0 : index
      %get3A_41 = vector.load %arg5[%get3A_39, %get3A_40] : memref<128x128xf32, #tpu.memory_space<vmem>>, vector<128x128xf32>
      %dot_general3A_42 = arith.constant dense<0.000000e+00> : vector<256x128xf32>
      %dot_general3A_43 = tpu.matmul %max3A_38, %get3A_41, %dot_general3A_42 {dimension_numbers = #tpu.dot_dimension_numbers<[1], [0], [0], [1], [0, 0, 1, 1], [], []>, transpose_lhs_hint = false} : vector<256x128xf32>, vector<128x128xf32>, vector<256x128xf32> -> vector<256x128xf32>
      %get3A_44 = arith.constant 0 : index
      %get3A_45 = arith.constant 0 : index
      %get3A_46 = vector.load %arg6[%get3A_44, %get3A_45] : memref<1x128xf32, #tpu.memory_space<vmem>>, vector<1x128xf32>
      %add3A_47 = vector.broadcast %get3A_46 : vector<1x128xf32> to vector<256x128xf32>
      %add3A_48 = arith.addf %dot_general3A_43, %add3A_47 : vector<256x128xf32>
      %swap3A_49 = arith.constant 0 : index
      %swap3A_50 = arith.constant 0 : index
      %swap3A_51 = vector.load %arg7[%swap3A_49, %swap3A_50] : memref<256x128xf32, #tpu.memory_space<vmem>>, vector<256x128xf32>
      tpu.vector_store %arg7[%swap3A_49, %swap3A_50], %add3A_48 {strides = array<i32>} : memref<256x128xf32, #tpu.memory_space<vmem>>, vector<256x128xf32>,
    } else {
    }
    return
  }
  func.func @transform_0(%arg0: i32) -> (i32, i32) {
    %c0_i32 = arith.constant 0 : i32
    %c0_i32_0 = arith.constant 0 : i32
    return %arg0, %c0_i32 : i32, i32
  }
  func.func @transform_1(%arg0: i32) -> (i32, i32, i32) {
    %c0_i32 = arith.constant 0 : i32
    %c0_i32_0 = arith.constant 0 : i32
    %c0_i32_1 = arith.constant 0 : i32
    return %arg0, %c0_i32, %c0_i32_0 : i32, i32, i32
  }
  func.func @transform_2(%arg0: i32) -> (i32, i32) {
    %c0_i32 = arith.constant 0 : i32
    %c0_i32_0 = arith.constant 0 : i32
    %c0_i32_1 = arith.constant 0 : i32
    return %c0_i32, %c0_i32_0 : i32, i32
  }
  func.func @transform_3(%arg0: i32) -> (i32, i32) {
    %c0_i32 = arith.constant 0 : i32
    %c0_i32_0 = arith.constant 0 : i32
    %c0_i32_1 = arith.constant 0 : i32
    return %c0_i32, %c0_i32_0 : i32, i32
  }
  func.func @transform_4(%arg0: i32) -> (i32, i32) {
    %c0_i32 = arith.constant 0 : i32
    %c0_i32_0 = arith.constant 0 : i32
    %c0_i32_1 = arith.constant 0 : i32
    return %c0_i32, %c0_i32_0 : i32, i32
  }
  func.func @transform_5(%arg0: i32) -> (i32, i32) {
    %c0_i32 = arith.constant 0 : i32
    %c0_i32_0 = arith.constant 0 : i32
    %c0_i32_1 = arith.constant 0 : i32
    return %c0_i32, %c0_i32_0 : i32, i32
  }
  func.func @transform_6(%arg0: i32) -> (i32, i32) {
    %c0_i32 = arith.constant 0 : i32
    %c0_i32_0 = arith.constant 0 : i32
    %c0_i32_1 = arith.constant 0 : i32
    return %c0_i32, %c0_i32_0 : i32, i32
  }
}

</mosaic_0001>

<sc_bundles>
// kernel: kernel.10.cloned.1.call-start
scs
__scs_entry_jumppad:
0x0: {  	(pc) =	sbr.rel $0x88, $3  }
0x1: {  	(tag) =	ssettag $0x0;
	lr =	simm.s32 $0x1  }
0x2: {  	[smem:$0x3F88] =	sst lr;
	_ =	strace $0xD0000000  }
0x3: {  	_ = 	snop  }
0x4: {  	_ = 	snop  }
0x5: {  	_ = 	snop  }
0x6: {  	_ = 	snop  }
0x7: {  	_ = 	snop  }
__scs_overlays_trampoline_lowered:
0x8: {  	[smem:$0x3F97] =	sst s0  }
0x9: {  	[smem:$0x3F98] =	sst s1  }
0xa: {  	[smem:$0x3F99] =	sst s2  }
0xb: {  	[smem:$0x3F9A] =	sst s3  }
0xc: {  	[smem:$0x3F9B] =	sst s4  }
0xd: {  	[smem:$0x3F9C] =	sst s5  }
0xe: {  	[smem:$0x3F9D] =	sst s6  }
0xf: {  	[smem:$0x3F9E] =	sst s7  }
0x10: {  	[smem:$0x3F9F] =	sst s8  }
0x11: {  	[smem:$0x3FA0] =	sst s9;
	s0 =	simm.s32 @!p0 $0x0  }
0x12: {  	s1 =	sld [smem:$0x3F86];
	s0 =	simm.s32 @p0 $0x1  }
0x13: {  	[smem:$0x3FA1] =	sst s0;
	s0 =	simm.s32 @!p1 $0x0  }
0x14: {  	s2 =	sld [smem:$0x3F85];
	s0 =	simm.s32 @p1 $0x1  }
0x15: {  	[smem:$0x3FA2] =	sst s0;
	s0 =	simm.s32 @!p2 $0x0  }
0x16: {  	s3 =	sld [smem:$0x3FDB];
	s0 =	simm.s32 @p2 $0x1  }
0x17: {  	s4 =	simm.s32 $0x1BF5;
	[smem:$0x3FA4] =	sst s0  }
0x18: {  	s0 =	sld [smem:$0x3F87];
	_ =	swait.ge [sflag:s4], $0x0  }
0x19: {  	s7 =	sld [smem:$0x3F88]  }
0x1a: {  	s8 =	sadd.s32 $0xFFFFE003, lr  }
0x1b: {  	s9 =	sadd.s32 $0xFFFFFEF7, lr;
	s5 =	simm.s32 $0xFFFFFFFF;
	p2 =	slt.u32 s8, $0xFFFFF086  }
0x1c: {  	p1 =	slt.u32 s9, $0xF7A;
	s5 =	simm.s32 @!p2 $0x0  }
0x1d: {  	s5 =	simm.s32 @p1 $0x1;
	p0 =	seq.s32 s7, s2  }
0x1e: {  	s7 =	smul.u32 @!p0 $0xF7A, s2;
	p2 =	seq.s32 @!p0 s5, $0x0  }
0x1f: {  	s9 =	smul.u32 $0xF7A, s1;
	s8 =	simm.s32 @!p0 $0x1BF5;
	p2 =	por !p2, p0  }
0x20: {  	[sflag:s8] =	ssyncset.s32 @!p0 $0xFFFFF086;
	s6 =	sadd.s32 @!p0 s3, s7;
	s7 =	simm.s32 @!p0 $0x108  }
0x21: {  	s3 =	sadd.s32 s3, s9;
	s6 =	sadd.s32 @!p0 $0x88, s6;
	s7 =	simm.s32 @p2 $0x1082  }
0x22: {  	[simem:s7], [sflag:s8] =	dma.local @!p0 [hbm:s6], $0xF7A  }
0x23: {  	s9 =	sor.u32 $0xD0000000, s2;
	s6 =	simm.s32 $0x108;
	_ =	swait.ge @!p0 [sflag:s8], $0x0  }
0x24: {  	s3 =	sadd.s32 $0x88, s3;
	s6 =	simm.s32 @!p1 $0x1082;
	[sflag:s4] =	ssyncset.s32 $0xFFFFF086  }
0x25: {  	[simem:s6], [sflag:s4] =	dma.local [hbm:s3], $0xF7A  }
0x26: {  	[smem:$0x3F88] =	sst s1;
	(tag) =	ssettag s2;
	_ =	strace s9  }
0x27: {  	s1 =	sld [smem:$0x3F98]  }
0x28: {  	s2 =	sld [smem:$0x3F99]  }
0x29: {  	s4 =	sld [smem:$0x3F9B]  }
0x2a: {  	p0 =	seq.s32 s5, $0x0;
	s5 =	sld [smem:$0x3F9C]  }
0x2b: {  	s6 =	sld [smem:$0x3F9D]  }
0x2c: {  	s7 =	sld [smem:$0x3F9E]  }
0x2d: {  	s3 =	simm.s32 $0x108;
	s8 =	sld [smem:$0x3F9F]  }
0x2e: {  	s3 =	simm.s32 @!p0 $0x1082;
	s9 =	sld [smem:$0x3FA0]  }
0x2f: {  	lr =	sadd.s32 s0, s3;
	s0 =	sld [smem:$0x3F97]  }
0x30: {  	s3 =	sld [smem:$0x3F9A]  }
0x31: {  	[smem:$0x3FA3] =	sst s10  }
0x32: {  	s10 =	sld [smem:$0x3FA1];
	_ =	sdelay $0x3  }
0x33: {  	p0 =	seq.s32 s10, $0x1;
	s10 =	sld [smem:$0x3FA3];
	_ =	sdelay $0x3  }
0x34: {  	[smem:$0x3FA3] =	sst s10  }
0x35: {  	s10 =	sld [smem:$0x3FA2];
	_ =	sdelay $0x3  }
0x36: {  	p1 =	seq.s32 s10, $0x1;
	s10 =	sld [smem:$0x3FA3];
	_ =	sdelay $0x3  }
0x37: {  	[smem:$0x3FA3] =	sst s10  }
0x38: {  	s10 =	sld [smem:$0x3FA4]  }
0x39: {  	_ = 	snop;
	(pc) =	sbr.ind lr, $3  }
0x3a: {  	_ = 	snop  }
0x3b: {  	_ = 	snop  }
0x3c: {  	p2 =	seq.s32 s10, $0x1;
	s10 =	sld [smem:$0x3FA3]  }
0x3d: {  	_ =	shalt  }
0x3e: {  	_ =	shalt  }
0x3f: {  	_ =	shalt  }
0x40: {  	_ =	shalt  }
0x41: {  	_ =	shalt  }
0x42: {  	_ =	shalt  }
0x43: {  	_ =	shalt  }
0x44: {  	_ =	shalt  }
0x45: {  	_ =	shalt  }
0x46: {  	_ =	shalt  }
0x47: {  	_ =	shalt  }
0x48: {  	_ =	shalt  }
0x49: {  	_ =	shalt  }
0x4a: {  	_ =	shalt  }
0x4b: {  	_ =	shalt  }
0x4c: {  	_ =	shalt  }
0x4d: {  	_ =	shalt  }
0x4e: {  	_ =	shalt  }
0x4f: {  	_ =	shalt  }
0x50: {  	_ =	shalt  }
0x51: {  	_ =	shalt  }
0x52: {  	_ =	shalt  }
0x53: {  	_ =	shalt  }
0x54: {  	_ =	shalt  }
0x55: {  	_ =	shalt  }
0x56: {  	_ =	shalt  }
0x57: {  	_ =	shalt  }
0x58: {  	_ =	shalt  }
0x59: {  	_ =	shalt  }
0x5a: {  	_ =	shalt  }
0x5b: {  	_ =	shalt  }
0x5c: {  	_ =	shalt  }
0x5d: {  	_ =	shalt  }
0x5e: {  	_ =	shalt  }
0x5f: {  	_ =	shalt  }
0x60: {  	_ =	shalt  }
0x61: {  	_ =	shalt  }
0x62: {  	_ =	shalt  }
0x63: {  	_ =	shalt  }
0x64: {  	_ =	shalt  }
0x65: {  	_ =	shalt  }
0x66: {  	_ =	shalt  }
0x67: {  	_ =	shalt  }
0x68: {  	_ =	shalt  }
0x69: {  	_ =	shalt  }
0x6a: {  	_ =	shalt  }
0x6b: {  	_ =	shalt  }
0x6c: {  	_ =	shalt  }
0x6d: {  	_ =	shalt  }
0x6e: {  	_ =	shalt  }
0x6f: {  	_ =	shalt  }
0x70: {  	_ =	shalt  }
0x71: {  	_ =	shalt  }
0x72: {  	_ =	shalt  }
0x73: {  	_ =	shalt  }
0x74: {  	_ =	shalt  }
0x75: {  	_ =	shalt  }
0x76: {  	_ =	shalt  }
0x77: {  	_ =	shalt  }
0x78: {  	_ =	shalt  }
0x79: {  	_ =	shalt  }
0x7a: {  	_ =	shalt  }
0x7b: {  	_ =	shalt  }
0x7c: {  	_ =	shalt  }
0x7d: {  	_ =	shalt  }
0x7e: {  	_ =	shalt  }
0x7f: {  	_ =	shalt  }
0x80: {  	_ =	shalt  }
0x81: {  	_ =	shalt  }
0x82: {  	_ =	shalt  }
0x83: {  	_ =	shalt  }
0x84: {  	_ =	shalt  }
0x85: {  	_ =	shalt  }
0x86: {  	_ =	shalt  }
0x87: {  	_ =	shalt  }
.Lfunc_end0:
.L_simem_size_0:
called_computation_lowered:
.L_overlay_start_0:
0x88: {  	s2 =	sld [smem:$0x3FD9]  }
0x89: {  	s3 =	sld [smem:$0x3FFE];
	_ =	sdelay $0x1  }
0x8a: {  	s1 =	srdreg.scid  }
0x8b: {  	s0 =	sand.u32 $0x1, s1  }
0x8c: {  	s16 =	sshll.u32 s0, $0xA;
	s2 =	sadd.s32 s3, s2  }
0x8d: {  	s2 =	sadd.s32 s2, s16  }
0x8e: {  	[smem:$0x3FAF] =	sst s2  }
0x8f: {  	_ = 	snop  }
0x90: {  	(tm) =	ssettm $0x1  }
0x91: {  	s17 =	sld [smem:$0x3FFB];
	_ =	sdelay $0x3  }
0x92: {  	_ =	strace s17  }
0x93: {  	s2 =	sld [smem:$0x3FFC];
	_ =	sdelay $0x3  }
0x94: {  	_ =	strace s2  }
0x95: {  	s2 =	sld [smem:$0x3FFD];
	_ =	sdelay $0x3  }
0x96: {  	_ =	strace s2  }
0x97: {  	_ =	strace $0x8FFFFFFF  }
0x98: {  	s18 =	sld [smem:$0x3FDB];
	_ =	sdelay $0x1  }
0x99: {  	s19 =	simm.s32 $_scs_section_size  }
0x9a: {  	s4 =	simm.s32 $_size__tile_overlayer_lowered;
	s5 =	simm.s32 $_tile_overlayer_lowered  }
0x9b: {  	s22 =	simm.s32 $0x1BFF;
	s21 =	sshll.u32 s5, $0x1;
	s2 =	sadd.s32 s19, s18  }
0x9c: {  	s6 =	simm.s32 $0x0;
	s20 =	sshll.u32 s4, $0x1;
	s4 =	sadd.s32 s21, s2  }
0x9d: {  	[timem:s6], [sflag:s22] =	dma.local [hbm:s4], s20  }
0x9e: {  	_ =	swait.ge [sflag:s22], s20  }
0x9f: {  	s3 =	ssub.s32 $0x0, s20;
	[sflag:s22] =	ssyncset.done $0x0  }
0xa0: {  	[sflag:s22] =	ssyncadd.s32 s3;
	_ =	sdelay $0x1  }
0xa1: {  	s23 =	simm.s32 $0x1B8B  }
0xa2: {  	_ =	swait.ge [sflag:s23], $0x1  }
0xa3: {  	[sflag:s23] =	ssyncset.done $0x0  }
0xa4: {  	s25 =	simm.s32 $0x1B8E;
	s24 =	sld [smem:$0x3FFE];
	[sflag:s23] =	ssyncadd.s32 $0xFFFFFFFF  }
0xa5: {  	s26 =	simm.s32 $execute0_lowered;
	[smem:$0x3FD2] =	sst s25  }
0xa6: {  	s4 =	sshll.u32 s26, $0x1;
	_ =	strace $0x80000046;
	[dreg:$0x1] =	wrdreg $0xFFFFFFFF  }
0xa7: {  	s28 =	simm.s32 $_size_execute0_lowered;
	s2 =	sadd.s32 s2, s4;
	[dreg:$0x0] =	wrdreg $0x0  }
0xa8: {  	s4 =	sshll.u32 s28, $0x1;
	[dreg:$0x2] =	wrdreg s2  }
0xa9: {  	[dreg:$0x3] =	wrdreg s4  }
0xaa: {  	[dreg:$0x4] =	wrdreg $0xC0  }
0xab: {  	_ =	task [dreg:s6], $0x5FFFF  }
0xac: {  	[dreg:$0x1] =	wrdreg $0xFFFFFFFF  }
0xad: {  	[dreg:$0x0] =	wrdreg $0x60  }
0xae: {  	[dreg:$0x2] =	wrdreg s24  }
0xaf: {  	[dreg:$0x3] =	wrdreg $0xAA000  }
0xb0: {  	[dreg:$0x4] =	wrdreg $0x9  }
0xb1: {  	_ =	task.clear_ibuf [dreg:s6], $0x5FFFF;
	_ =	strace $0x90000046  }
0xb2: {  	s29 =	simm.s32 $0x9;
	_ =	strace $0x80000048  }
0xb3: {  	_ =	swait.ge [sflag:s29], $0x1  }
0xb4: {  	[sflag:s29] =	ssyncadd.s32 $0xFFFFFFFF  }
0xb5: {  	_ =	strace $0x90000048  }
0xb6: {  	_ =	sfence  }
0xb7: {  	s30 =	sld [smem:$0x0];
	_ =	sdelay $0x2  }
0xb8: {  	s31 =	sshll.u32 s1, $0xD;
	s1 =	sshrl.u32 s1, $0x2  }
0xb9: {  	s3 =	sand.u32 $0x4000, s31;
	s1 =	sadd.s32 s1, s30  }
0xba: {  	s0 =	sor.u32 s3, s0;
	s1 =	sshll.u32 s1, $0x11  }
0xbb: {  	s0 =	sor.u32 s1, s0  }
0xbc: {  	s0 =	sadd.s32 $0x8F2B, s0  }
0xbd: {  	[sflag:s0] =	ssyncadd.remote.s32 $0x1  }
0xbe: {  	_ =	sfence.sel $0xFFFF  }
0xbf: {  	[dreg:$0x0] =	wrdreg $0xFFFFFFFF;
	(pc) =	sbr.abs _section_cstart, $3  }
0xc0: {  	[dreg:$0x1] =	wrdreg $0xFFFFFFFF  }
0xc1: {  	_ =	task.clear_ibuf [dreg:s6], $0x2FFFF;
	_ =	strace $0x9FFFFFFF  }
0xc2: {  	(tm) =	ssettm $0x7FFFFFFF  }
0xc3: {  	_ =	shalt  }
tec
execute0_lowered:
.L_overlay_start_1:
0x0: {  	(tag) =	ssettag $0x1  }
0x1: {  	s7 =	rddreg [dreg:$0x0]  }
0x2: {  	s0 =	srdreg.scid;
	s2 =	rddreg [dreg:$0x1]  }
0x3: {  	s3 =	simm.s32 $0x0;
	s17 =	simm.s32 $0x2A00;
	s18 =	simm.s32 $0x1  }
0x4: {  	s19 =	simm.s32 $0x2900;
	s5 =	sand.u32 $0x1, s0;
	s0 =	stileid.u32  }
0x5: {  	s20 =	simm.s32 $0x6A00;
	s21 =	simm.s32 $0x2880;
	s8 =	smul.u32 $0x2780, s0  }
0x6: {  	s22 =	simm.s32 $0x2980;
	[smem:$0x7FF] =	sst s3;
	s9 =	smul.u32 $0x4F000, s0  }
0x7: {  	s11 =	sadd.s32 $0x5D400, s7;
	s15 =	sadd.s32 $0x13C000, s2;
	s25 =	smul.u32 $0x138800, s5  }
0x8: {  	s1 =	sshll.u32 s5, $0x4;
	s24 =	ssub.s32 $0x2, s5;
	s14 =	smul.u32 $0x13800, s0  }
0x9: {  	s26 =	sshll.u32 s0, $0x6;
	s16 =	smul.u32 $0x4E000, s0;
	p0 =	sne.s32 s0, $0xF  }
0xa: {  	s4 =	sor.u32 s0, s1;
	s1 =	rddreg [dreg:$0x2];
	_ =	strace $0x80000047  }
0xb: {  	s12 =	sshrl.u32 s24, $0x1;
	s6 =	smul.u32 $0x500, s4;
	s4 =	sadd.s32 $0xE800, s7  }
0xc: {  	s23 =	sadd.s32 s8, s7;
	s9 =	sshrl.u32 s9, $0x2;
	s12 =	ssub.s32 s24, s12  }
0xd: {  	s28 =	sadd.s32 s14, s25;
	s29 =	sshrl.u32 s16, $0x2;
	s30 =	sshrl.u32 s25, $0x3  }
0xe: {  	s24 =	sadd.s32 $0x138000, s2;
	s14 =	sshrl.u32 @!p0 s15, $0x3;
	s15 =	simm.s32 $0x80  }
0xf: {  	s16 =	simm.s32 $0x2800;
	s25 =	simm.s32 $0x0;
	s13 =	sadd.s32 s9, s2  }
0x10: {  	s5 =	sadd.s32 $0x35A00, s23;
	s23 =	sadd.s32 s29, s2;
	s31 =	sadd.s32 s11, s30  }
0x11: {  	s24 =	sshrl.u32 @!p0 s24, $0x3;
	s10 =	sadd.s32 s6, s7;
	s6 =	sor.u32 $0x1C02, s26  }
0x12: {  	s7 =	sadd.s32 $0x5D200, s7;
	s8 =	sadd.s32 $0x4800, s10;
	s10 =	sshrl.u32 s28, $0x3  }
0x13: {  	s23 =	sshrl.u32 s23, $0x3;
	s9 =	sadd.s32 s11, s10;
	s10 =	sadd.s32 $0x27000, s31  }
0x14: {  	s11 =	smax.u32 s12, $0x1;
	s12 =	sshrl.u32 s13, $0x3;
	s13 =	simm.s32 $0x2  }
.LBB2_1:
0x15: {  	[spmem:s12], [sflag:s6] =	dma.local [hbm:s5], $0x2780  }
0x16: {  	_ =	swait.ge [sflag:s13], $0x2780  }
0x17: {  	[sflag:s13] =	ssyncset.done $0x0  }
0x18: {  	s26 =	simm.s32 @!p0 $0x2;
	[sflag:s13] =	ssyncadd.s32 $0xFFFFD880  }
0x19: {  	[spmem:s14], [sflag:s6] =	dma.local @!p0 [hbm:s7], $0x100  }
0x1a: {  	_ =	swait.ge @!p0 [sflag:s26], $0x100  }
0x1b: {  	[sflag:s26] =	ssyncset.done @!p0 $0x0  }
0x1c: {  	[sflag:s26] =	ssyncadd.s32 @!p0 $0xFFFFFF00  }
0x1d: {  	[tilespmem:s3], [sflag:$0x2] =	stream.linear.gather [hbm4b:s8+s3], $0x2800, $0x38;
	[tilespmem:$0x1E680] =	vst v63  }
0x1e: {  	_ =	swait.ge [sflag:s13], $0x2800  }
0x1f: {  	[sflag:s13] =	ssyncset.done $0x0  }
0x20: {  	[sflag:s13] =	ssyncadd.s32 $0xFFFFD800  }
0x21: {  	[bflag:$0x0] =	sbarrier.arrive $0xFFFF  }
0x22: {  	v0 =	vld [tilespmem:$0x0];
	_ =	sdelay $0x1  }
0x23: {  	v1 =	vld [tilespmem:$0x10];
	_ =	sdelay $0x1  }
0x24: {  	v2 =	vld [tilespmem:$0x20]  }
0x25: {  	v3 =	vand.u32 $0x3FFF, v0  }
0x26: {  	v29 =	vld [tilespmem:$0x30];
	v0 =	vshrl.u32 v0, $0xE;
	[tilespmem:$0x2800] =	vst v3  }
0x27: {  	v30 =	vand.u32 $0x3FFF, v1;
	[tilespmem:$0x2880] =	vst v0  }
0x28: {  	v32 =	vld [tilespmem:$0x40];
	v31 =	vshrl.u32 v1, $0xE;
	[tilespmem:$0x2810] =	vst v30  }
0x29: {  	v33 =	vand.u32 $0x3FFF, v2;
	[tilespmem:$0x2890] =	vst v31  }
0x2a: {  	v35 =	vld [tilespmem:$0x50];
	v34 =	vshrl.u32 v2, $0xE;
	[tilespmem:$0x2820] =	vst v33  }
0x2b: {  	v36 =	vand.u32 $0x3FFF, v29;
	[tilespmem:$0x28A0] =	vst v34  }
0x2c: {  	v38 =	vld [tilespmem:$0x60];
	v37 =	vshrl.u32 v29, $0xE;
	[tilespmem:$0x2830] =	vst v36  }
0x2d: {  	v39 =	vand.u32 $0x3FFF, v32;
	[tilespmem:$0x28B0] =	vst v37  }
0x2e: {  	v41 =	vld [tilespmem:$0x70];
	v40 =	vshrl.u32 v32, $0xE;
	[tilespmem:$0x2840] =	vst v39  }
0x2f: {  	v42 =	vand.u32 $0x3FFF, v35;
	[tilespmem:$0x28C0] =	vst v40  }
0x30: {  	v43 =	vshrl.u32 v35, $0xE;
	[tilespmem:$0x2850] =	vst v42  }
0x31: {  	v44 =	vand.u32 $0x3FFF, v38;
	[tilespmem:$0x28D0] =	vst v43  }
0x32: {  	v45 =	vshrl.u32 v38, $0xE;
	[tilespmem:$0x2860] =	vst v44  }
0x33: {  	v46 =	vand.u32 $0x3FFF, v41;
	[tilespmem:$0x28E0] =	vst v45  }
0x34: {  	v47 =	vshrl.u32 v41, $0xE;
	[tilespmem:$0x2870] =	vst v46  }
0x35: {  	s26 =	simm.s32 $0xF0;
	[tilespmem:$0x28F0] =	vst v47  }
0x36: {  	[tilespmem:s17], [sflag:$0x1] =	stream.indirect.gather [hbm4b:s4+s15], $0x80, s16, s15, $0xb8;
	[tilespmem:$0x1E680] =	vst v63  }
0x37: {  	v0 =	vld [tilespmem:s26+$0xFFFFFF90];
	_ =	sdelay $0x4  }
0x38: {  	v48 =	vand.u32 $0x3FFF, v0  }
0x39: {  	v0 =	vshrl.u32 v0, $0xE;
	[tilespmem:$0x2900] =	vst v48  }
0x3a: {  	[tilespmem:$0x2980] =	vst v0  }
0x3b: {  	v0 =	vld [tilespmem:s26+$0xFFFFFFA0];
	_ =	sdelay $0x4  }
0x3c: {  	v49 =	vand.u32 $0x3FFF, v0  }
0x3d: {  	v0 =	vshrl.u32 v0, $0xE;
	[tilespmem:$0x2910] =	vst v49  }
0x3e: {  	[tilespmem:$0x2990] =	vst v0  }
0x3f: {  	v0 =	vld [tilespmem:s26+$0xFFFFFFB0];
	_ =	sdelay $0x4  }
0x40: {  	v50 =	vand.u32 $0x3FFF, v0  }
0x41: {  	v0 =	vshrl.u32 v0, $0xE;
	[tilespmem:$0x2920] =	vst v50  }
0x42: {  	[tilespmem:$0x29A0] =	vst v0  }
0x43: {  	v0 =	vld [tilespmem:s26+$0xFFFFFFC0];
	_ =	sdelay $0x4  }
0x44: {  	v51 =	vand.u32 $0x3FFF, v0  }
0x45: {  	v0 =	vshrl.u32 v0, $0xE;
	[tilespmem:$0x2930] =	vst v51  }
0x46: {  	[tilespmem:$0x29B0] =	vst v0  }
0x47: {  	v0 =	vld [tilespmem:s26+$0xFFFFFFD0];
	_ =	sdelay $0x4  }
0x48: {  	v52 =	vand.u32 $0x3FFF, v0  }
0x49: {  	v0 =	vshrl.u32 v0, $0xE;
	[tilespmem:$0x2940] =	vst v52  }
0x4a: {  	[tilespmem:$0x29C0] =	vst v0  }
0x4b: {  	v0 =	vld [tilespmem:s26+$0xFFFFFFE0];
	_ =	sdelay $0x4  }
0x4c: {  	v53 =	vand.u32 $0x3FFF, v0  }
0x4d: {  	v0 =	vshrl.u32 v0, $0xE;
	[tilespmem:$0x2950] =	vst v53  }
0x4e: {  	[tilespmem:$0x29D0] =	vst v0  }
0x4f: {  	v0 =	vld [tilespmem:s26+$0xFFFFFFF0];
	_ =	sdelay $0x4  }
0x50: {  	v54 =	vand.u32 $0x3FFF, v0  }
0x51: {  	v0 =	vshrl.u32 v0, $0xE;
	[tilespmem:$0x2960] =	vst v54  }
0x52: {  	[tilespmem:$0x29E0] =	vst v0  }
0x53: {  	v0 =	vld [tilespmem:s26+$0x0];
	_ =	sdelay $0x4  }
0x54: {  	v55 =	vand.u32 $0x3FFF, v0  }
0x55: {  	v0 =	vshrl.u32 v0, $0xE;
	[tilespmem:$0x2970] =	vst v55  }
0x56: {  	[tilespmem:$0x29F0] =	vst v0  }
0x57: {  	_ =	swait.ge [sflag:s18], $0x4000  }
0x58: {  	[sflag:s18] =	ssyncset.done $0x0  }
0x59: {  	[sflag:s18] =	ssyncadd.s32 $0xFFFFC000  }
0x5a: {  	[tilespmem:s20], [sflag:$0x1] =	stream.indirect.gather [hbm4b:s4+s15], $0x80, s19, s15, $0xb8;
	[tilespmem:$0x1E680] =	vst v63  }
0x5b: {  	p1 =	por $0x1, $0x1;
	s28 =	simm.s32 $0x0  }
0x5c: {  	[spmem:s2] =	stream.indirect.scatter.add.f32 [tilespmem:s17], [sflag:$0x2], $0x80, s21, s15, $0xb8;
	[tilespmem:$0x1E680] =	vst v63  }
0x5d: {  	s28 =	simm.s32 @!p1 $0x4D;
	_ =	swait.ge [sflag:s13], $0x4000  }
0x5e: {  	s28 =	sshll.u32 s28, $0x7;
	[sflag:s13] =	ssyncset.done $0x0  }
0x5f: {  	s29 =	sand.u32 $0x3FFFFF80, s28;
	[sflag:s13] =	ssyncadd.s32 $0xFFFFC000  }
0x60: {  	v56 =	vld [tilespmem:s29+$0x100];
	_ =	sdelay $0x4  }
0x61: {  	v57 =	vand.u32 $0x3FFF, v56  }
0x62: {  	v0 =	vshrl.u32 v56, $0xE;
	[tilespmem:$0x2800] =	vst v57  }
0x63: {  	[tilespmem:$0x2880] =	vst v0  }
0x64: {  	v0 =	vld [tilespmem:s29+$0x110];
	_ =	sdelay $0x4  }
0x65: {  	v58 =	vand.u32 $0x3FFF, v0  }
0x66: {  	v0 =	vshrl.u32 v0, $0xE;
	[tilespmem:$0x2810] =	vst v58  }
0x67: {  	[tilespmem:$0x2890] =	vst v0  }
0x68: {  	v0 =	vld [tilespmem:s29+$0x120];
	_ =	sdelay $0x4  }
0x69: {  	v59 =	vand.u32 $0x3FFF, v0  }
0x6a: {  	v0 =	vshrl.u32 v0, $0xE;
	[tilespmem:$0x2820] =	vst v59  }
0x6b: {  	[tilespmem:$0x28A0] =	vst v0  }
0x6c: {  	v0 =	vld [tilespmem:s29+$0x130];
	_ =	sdelay $0x4  }
0x6d: {  	v60 =	vand.u32 $0x3FFF, v0  }
0x6e: {  	v0 =	vshrl.u32 v0, $0xE;
	[tilespmem:$0x2830] =	vst v60  }
0x6f: {  	[tilespmem:$0x28B0] =	vst v0  }
0x70: {  	v0 =	vld [tilespmem:s29+$0x140];
	_ =	sdelay $0x4  }
0x71: {  	v61 =	vand.u32 $0x3FFF, v0  }
0x72: {  	v0 =	vshrl.u32 v0, $0xE;
	[tilespmem:$0x2840] =	vst v61  }
0x73: {  	[tilespmem:$0x28C0] =	vst v0  }
0x74: {  	v0 =	vld [tilespmem:s29+$0x150];
	_ =	sdelay $0x4  }
0x75: {  	v62 =	vand.u32 $0x3FFF, v0  }
0x76: {  	v0 =	vshrl.u32 v0, $0xE;
	[tilespmem:$0x2850] =	vst v62  }
0x77: {  	[tilespmem:$0x28D0] =	vst v0  }
0x78: {  	v0 =	vld [tilespmem:s29+$0x160];
	_ =	sdelay $0x4  }
0x79: {  	v63 =	vand.u32 $0x3FFF, v0  }
0x7a: {  	v0 =	vshrl.u32 v0, $0xE;
	[tilespmem:$0x2860] =	vst v63  }
0x7b: {  	s28 =	simm.s32 $0x2;
	[tilespmem:$0x28E0] =	vst v0  }
.LBB2_2:
0x7c: {  	p1 =	sne.s32 s28, $0x4E  }
0x7d: {  	v0 =	vld [tilespmem:s29+$0x170];
	s26 =	sadd.s32 $0x100, s26;
	s29 =	smov.u32 s28;
	s28 =	sadd.s32 $0x2, s28  }
0x7e: {  	_ =	sdelay $0x3  }
0x7f: {  	v1 =	vand.u32 $0x3FFF, v0;
	v0 =	vshrl.u32 v0, $0xE  }
0x80: {  	[tilespmem:$0x2870] =	vst v1  }
0x81: {  	[tilespmem:$0x28F0] =	vst v0  }
0x82: {  	_ =	swait.ge [sflag:s18], $0x4000  }
0x83: {  	[sflag:s18] =	ssyncset.done $0x0  }
0x84: {  	[sflag:s18] =	ssyncadd.s32 $0xFFFFC000  }
0x85: {  	[tilespmem:s17], [sflag:$0x1] =	stream.indirect.gather [hbm4b:s4+s15], $0x80, s16, s15, $0xb8;
	[tilespmem:$0x1E680] =	vst v63  }
0x86: {  	_ = 	snop  }
0x87: {  	[spmem:s2] =	stream.indirect.scatter.add.f32 [tilespmem:s20], [sflag:$0x2], $0x80, s22, s15, $0xb8;
	[tilespmem:$0x1E680] =	vst v63  }
0x88: {  	_ =	swait.ge [sflag:s13], $0x4000  }
0x89: {  	[sflag:s13] =	ssyncset.done $0x0  }
0x8a: {  	[sflag:s13] =	ssyncadd.s32 $0xFFFFC000  }
0x8b: {  	v0 =	vld [tilespmem:s26+$0xFFFFFF90];
	_ =	sdelay $0x4  }
0x8c: {  	v1 =	vand.u32 $0x3FFF, v0;
	v0 =	vshrl.u32 v0, $0xE  }
0x8d: {  	[tilespmem:$0x2900] =	vst v1  }
0x8e: {  	[tilespmem:$0x2980] =	vst v0  }
0x8f: {  	v0 =	vld [tilespmem:s26+$0xFFFFFFA0];
	_ =	sdelay $0x4  }
0x90: {  	v1 =	vand.u32 $0x3FFF, v0;
	v0 =	vshrl.u32 v0, $0xE  }
0x91: {  	[tilespmem:$0x2910] =	vst v1  }
0x92: {  	[tilespmem:$0x2990] =	vst v0  }
0x93: {  	v0 =	vld [tilespmem:s26+$0xFFFFFFB0];
	_ =	sdelay $0x4  }
0x94: {  	v1 =	vand.u32 $0x3FFF, v0;
	v0 =	vshrl.u32 v0, $0xE  }
0x95: {  	[tilespmem:$0x2920] =	vst v1  }
0x96: {  	[tilespmem:$0x29A0] =	vst v0  }
0x97: {  	v0 =	vld [tilespmem:s26+$0xFFFFFFC0];
	_ =	sdelay $0x4  }
0x98: {  	v1 =	vand.u32 $0x3FFF, v0;
	v0 =	vshrl.u32 v0, $0xE  }
0x99: {  	[tilespmem:$0x2930] =	vst v1  }
0x9a: {  	[tilespmem:$0x29B0] =	vst v0  }
0x9b: {  	v0 =	vld [tilespmem:s26+$0xFFFFFFD0];
	_ =	sdelay $0x4  }
0x9c: {  	v1 =	vand.u32 $0x3FFF, v0;
	v0 =	vshrl.u32 v0, $0xE  }
0x9d: {  	[tilespmem:$0x2940] =	vst v1  }
0x9e: {  	[tilespmem:$0x29C0] =	vst v0  }
0x9f: {  	v0 =	vld [tilespmem:s26+$0xFFFFFFE0];
	_ =	sdelay $0x4  }
0xa0: {  	v1 =	vand.u32 $0x3FFF, v0;
	v0 =	vshrl.u32 v0, $0xE  }
0xa1: {  	[tilespmem:$0x2950] =	vst v1  }
0xa2: {  	[tilespmem:$0x29D0] =	vst v0  }
0xa3: {  	v0 =	vld [tilespmem:s26+$0xFFFFFFF0];
	_ =	sdelay $0x4  }
0xa4: {  	v1 =	vand.u32 $0x3FFF, v0;
	v0 =	vshrl.u32 v0, $0xE  }
0xa5: {  	[tilespmem:$0x2960] =	vst v1  }
0xa6: {  	[tilespmem:$0x29E0] =	vst v0  }
0xa7: {  	v0 =	vld [tilespmem:s26+$0x0];
	_ =	sdelay $0x4  }
0xa8: {  	p2 =	slt.s32 s29, $0x4D;
	v1 =	vand.u32 $0x3FFF, v0;
	v0 =	vshrl.u32 v0, $0xE  }
0xa9: {  	s29 =	simm.s32 @!p2 $0x4D;
	[tilespmem:$0x2970] =	vst v1  }
0xaa: {  	s29 =	sshll.u32 s29, $0x7;
	[tilespmem:$0x29F0] =	vst v0  }
0xab: {  	s29 =	sand.u32 $0x3FFFFF80, s29;
	_ =	swait.ge [sflag:s18], $0x4000  }
0xac: {  	[sflag:s18] =	ssyncset.done $0x0  }
0xad: {  	[sflag:s18] =	ssyncadd.s32 $0xFFFFC000  }
0xae: {  	[tilespmem:s20], [sflag:$0x1] =	stream.indirect.gather [hbm4b:s4+s15], $0x80, s19, s15, $0xb8;
	[tilespmem:$0x1E680] =	vst v63  }
0xaf: {  	_ = 	snop  }
0xb0: {  	[spmem:s2] =	stream.indirect.scatter.add.f32 [tilespmem:s17], [sflag:$0x2], $0x80, s21, s15, $0xb8;
	[tilespmem:$0x1E680] =	vst v63  }
0xb1: {  	_ =	swait.ge [sflag:s13], $0x4000  }
0xb2: {  	[sflag:s13] =	ssyncset.done $0x0  }
0xb3: {  	[sflag:s13] =	ssyncadd.s32 $0xFFFFC000  }
0xb4: {  	v0 =	vld [tilespmem:s29+$0x100];
	_ =	sdelay $0x4  }
0xb5: {  	v1 =	vand.u32 $0x3FFF, v0;
	v0 =	vshrl.u32 v0, $0xE  }
0xb6: {  	[tilespmem:$0x2800] =	vst v1  }
0xb7: {  	[tilespmem:$0x2880] =	vst v0  }
0xb8: {  	v0 =	vld [tilespmem:s29+$0x110];
	_ =	sdelay $0x4  }
0xb9: {  	v1 =	vand.u32 $0x3FFF, v0;
	v0 =	vshrl.u32 v0, $0xE  }
0xba: {  	[tilespmem:$0x2810] =	vst v1  }
0xbb: {  	[tilespmem:$0x2890] =	vst v0  }
0xbc: {  	v0 =	vld [tilespmem:s29+$0x120];
	_ =	sdelay $0x4  }
0xbd: {  	v1 =	vand.u32 $0x3FFF, v0;
	v0 =	vshrl.u32 v0, $0xE  }
0xbe: {  	[tilespmem:$0x2820] =	vst v1  }
0xbf: {  	[tilespmem:$0x28A0] =	vst v0  }
0xc0: {  	v0 =	vld [tilespmem:s29+$0x130];
	_ =	sdelay $0x4  }
0xc1: {  	v1 =	vand.u32 $0x3FFF, v0;
	v0 =	vshrl.u32 v0, $0xE  }
0xc2: {  	[tilespmem:$0x2830] =	vst v1  }
0xc3: {  	[tilespmem:$0x28B0] =	vst v0  }
0xc4: {  	v0 =	vld [tilespmem:s29+$0x140];
	_ =	sdelay $0x4  }
0xc5: {  	v1 =	vand.u32 $0x3FFF, v0;
	v0 =	vshrl.u32 v0, $0xE  }
0xc6: {  	[tilespmem:$0x2840] =	vst v1  }
0xc7: {  	[tilespmem:$0x28C0] =	vst v0  }
0xc8: {  	v0 =	vld [tilespmem:s29+$0x150];
	_ =	sdelay $0x4  }
0xc9: {  	v1 =	vand.u32 $0x3FFF, v0;
	v0 =	vshrl.u32 v0, $0xE  }
0xca: {  	[tilespmem:$0x2850] =	vst v1  }
0xcb: {  	[tilespmem:$0x28D0] =	vst v0  }
0xcc: {  	v0 =	vld [tilespmem:s29+$0x160];
	_ =	sdelay $0x2  }
.Ltmp0:
0xcd: {  	(pc) =	sbr.rel @p1 .LBB2_2-.Ltmp0, $4  }
0xce: {  	_ = 	snop  }
0xcf: {  	v1 =	vand.u32 $0x3FFF, v0;
	v0 =	vshrl.u32 v0, $0xE  }
0xd0: {  	[tilespmem:$0x2860] =	vst v1  }
0xd1: {  	[tilespmem:$0x28E0] =	vst v0  }
0xd2: {  	v0 =	vld [tilespmem:s29+$0x170];
	_ =	sdelay $0x4  }
0xd3: {  	v1 =	vand.u32 $0x3FFF, v0  }
0xd4: {  	v0 =	vshrl.u32 v0, $0xE;
	[tilespmem:$0x2870] =	vst v1  }
0xd5: {  	[tilespmem:$0x28F0] =	vst v0  }
0xd6: {  	_ =	swait.ge [sflag:s18], $0x4000  }
0xd7: {  	[sflag:s18] =	ssyncset.done $0x0  }
0xd8: {  	[sflag:s18] =	ssyncadd.s32 $0xFFFFC000  }
0xd9: {  	[tilespmem:s17], [sflag:$0x1] =	stream.indirect.gather [hbm4b:s4+s15], $0x80, s16, s15, $0xb8;
	[tilespmem:$0x1E680] =	vst v63  }
0xda: {  	_ = 	snop  }
0xdb: {  	[spmem:s2] =	stream.indirect.scatter.add.f32 [tilespmem:s20], [sflag:$0x2], $0x80, s22, s15, $0xb8;
	[tilespmem:$0x1E680] =	vst v63  }
0xdc: {  	_ =	swait.ge [sflag:s13], $0x4000  }
0xdd: {  	[sflag:s13] =	ssyncset.done $0x0  }
0xde: {  	[sflag:s13] =	ssyncadd.s32 $0xFFFFC000  }
0xdf: {  	_ =	swait.ge [sflag:s18], $0x4000  }
0xe0: {  	[sflag:s18] =	ssyncset.done $0x0  }
0xe1: {  	[sflag:s18] =	ssyncadd.s32 $0xFFFFC000  }
0xe2: {  	[bflag:$0x0] =	sbarrier.arrive $0xFFFF  }
0xe3: {  	[hbm:s9], [sflag:s6] =	dma.local [spmem:s23], $0x2700  }
0xe4: {  	s25 =	sadd.s32 $0x1, s25;
	_ =	swait.ge [sflag:s13], $0x2700  }
0xe5: {  	p1 =	sne.s32 s25, s11;
	[sflag:s13] =	ssyncset.done $0x0  }
.Ltmp1:
0xe6: {  	s26 =	simm.s32 @!p0 $0x2;
	[sflag:s13] =	ssyncadd.s32 $0xFFFFD900;
	(pc) =	sbr.rel @p1 .LBB2_1-.Ltmp1, $4  }
0xe7: {  	[hbm:s10], [sflag:s6] =	dma.local @!p0 [spmem:s24], $0x100  }
0xe8: {  	_ =	swait.ge @!p0 [sflag:s26], $0x100  }
0xe9: {  	[sflag:s26] =	ssyncset.done @!p0 $0x0  }
0xea: {  	[sflag:s26] =	ssyncadd.s32 @!p0 $0xFFFFFF00  }
0xeb: {  	_ =	sfence.sel $0x180000  }
0xec: {  	[bflag:$0x0] =	sbarrier.arrive $0xFFFF  }
0xed: {  	p0 =	sne.s32 s0, $0x0;
	_ =	strace $0x90000047  }
0xee: {  	s0 =	sadd.s32 @!p0 $0x100000, s1;
	[bflag:$0x2] =	sbarrier.arrive $0xFFFF  }
0xef: {  	[sflag:s0] =	ssyncadd.tile.s32 @!p0 $0x1;
	_ =	shalt  }
.Lfunc_end2:
_tile_overlayer_lowered:
.L_overlay_start_2:
0xf0: {  	(tag) =	ssettag $0x2  }
0xf1: {  	s0 =	rddreg [dreg:$0x0];
	s2 =	stileid.u32  }
0xf2: {  	s1 =	rddreg [dreg:$0x1];
	p0 =	sne.s32 s2, $0x0  }
0xf3: {  	s3 =	rddreg [dreg:$0x2];
	[bflag:$0x3] =	sbarrier.arrive $0xFFFF;
	s2 =	simm.s32 @!p0 $0x1C02  }
0xf4: {  	[timem:s3], [sflag:s2] =	dma.local @!p0 [hbm:s0], s1  }
0xf5: {  	s0 =	simm.s32 @!p0 $0x2  }
0xf6: {  	_ =	swait.ge @!p0 [sflag:s0], s1  }
0xf7: {  	s1 =	ssub.s32 @!p0 $0x0, s1;
	[sflag:s0] =	ssyncset.done @!p0 $0x0  }
0xf8: {  	[sflag:s0] =	ssyncadd.s32 @!p0 s1  }
0xf9: {  	[bflag:$0x3] =	sbarrier.arrive $0xFFFF  }
0xfa: {  	_ =	shalt  }

// kernel: kernel.13.cloned.1.call-start
scs
__scs_entry_jumppad:
0x0: {  	(pc) =	sbr.rel $0x88, $3  }
0x1: {  	(tag) =	ssettag $0x0;
	lr =	simm.s32 $0x1  }
0x2: {  	[smem:$0x3F88] =	sst lr;
	_ =	strace $0xD0000000  }
0x3: {  	_ = 	snop  }
0x4: {  	_ = 	snop  }
0x5: {  	_ = 	snop  }
0x6: {  	_ = 	snop  }
0x7: {  	_ = 	snop  }
__scs_overlays_trampoline_lowered:
0x8: {  	[smem:$0x3F97] =	sst s0  }
0x9: {  	[smem:$0x3F98] =	sst s1  }
0xa: {  	[smem:$0x3F99] =	sst s2  }
0xb: {  	[smem:$0x3F9A] =	sst s3  }
0xc: {  	[smem:$0x3F9B] =	sst s4  }
0xd: {  	[smem:$0x3F9C] =	sst s5  }
0xe: {  	[smem:$0x3F9D] =	sst s6  }
0xf: {  	[smem:$0x3F9E] =	sst s7  }
0x10: {  	[smem:$0x3F9F] =	sst s8  }
0x11: {  	[smem:$0x3FA0] =	sst s9;
	s0 =	simm.s32 @!p0 $0x0  }
0x12: {  	s1 =	sld [smem:$0x3F86];
	s0 =	simm.s32 @p0 $0x1  }
0x13: {  	[smem:$0x3FA1] =	sst s0;
	s0 =	simm.s32 @!p1 $0x0  }
0x14: {  	s2 =	sld [smem:$0x3F85];
	s0 =	simm.s32 @p1 $0x1  }
0x15: {  	[smem:$0x3FA2] =	sst s0;
	s0 =	simm.s32 @!p2 $0x0  }
0x16: {  	s3 =	sld [smem:$0x3FDB];
	s0 =	simm.s32 @p2 $0x1  }
0x17: {  	s4 =	simm.s32 $0x1BF5;
	[smem:$0x3FA4] =	sst s0  }
0x18: {  	s0 =	sld [smem:$0x3F87];
	_ =	swait.ge [sflag:s4], $0x0  }
0x19: {  	s7 =	sld [smem:$0x3F88]  }
0x1a: {  	s8 =	sadd.s32 $0xFFFFE003, lr  }
0x1b: {  	s9 =	sadd.s32 $0xFFFFFEF7, lr;
	s5 =	simm.s32 $0xFFFFFFFF;
	p2 =	slt.u32 s8, $0xFFFFF086  }
0x1c: {  	p1 =	slt.u32 s9, $0xF7A;
	s5 =	simm.s32 @!p2 $0x0  }
0x1d: {  	s5 =	simm.s32 @p1 $0x1;
	p0 =	seq.s32 s7, s2  }
0x1e: {  	s7 =	smul.u32 @!p0 $0xF7A, s2;
	p2 =	seq.s32 @!p0 s5, $0x0  }
0x1f: {  	s9 =	smul.u32 $0xF7A, s1;
	s8 =	simm.s32 @!p0 $0x1BF5;
	p2 =	por !p2, p0  }
0x20: {  	[sflag:s8] =	ssyncset.s32 @!p0 $0xFFFFF086;
	s6 =	sadd.s32 @!p0 s3, s7;
	s7 =	simm.s32 @!p0 $0x108  }
0x21: {  	s3 =	sadd.s32 s3, s9;
	s6 =	sadd.s32 @!p0 $0x88, s6;
	s7 =	simm.s32 @p2 $0x1082  }
0x22: {  	[simem:s7], [sflag:s8] =	dma.local @!p0 [hbm:s6], $0xF7A  }
0x23: {  	s9 =	sor.u32 $0xD0000000, s2;
	s6 =	simm.s32 $0x108;
	_ =	swait.ge @!p0 [sflag:s8], $0x0  }
0x24: {  	s3 =	sadd.s32 $0x88, s3;
	s6 =	simm.s32 @!p1 $0x1082;
	[sflag:s4] =	ssyncset.s32 $0xFFFFF086  }
0x25: {  	[simem:s6], [sflag:s4] =	dma.local [hbm:s3], $0xF7A  }
0x26: {  	[smem:$0x3F88] =	sst s1;
	(tag) =	ssettag s2;
	_ =	strace s9  }
0x27: {  	s1 =	sld [smem:$0x3F98]  }
0x28: {  	s2 =	sld [smem:$0x3F99]  }
0x29: {  	s4 =	sld [smem:$0x3F9B]  }
0x2a: {  	p0 =	seq.s32 s5, $0x0;
	s5 =	sld [smem:$0x3F9C]  }
0x2b: {  	s6 =	sld [smem:$0x3F9D]  }
0x2c: {  	s7 =	sld [smem:$0x3F9E]  }
0x2d: {  	s3 =	simm.s32 $0x108;
	s8 =	sld [smem:$0x3F9F]  }
0x2e: {  	s3 =	simm.s32 @!p0 $0x1082;
	s9 =	sld [smem:$0x3FA0]  }
0x2f: {  	lr =	sadd.s32 s0, s3;
	s0 =	sld [smem:$0x3F97]  }
0x30: {  	s3 =	sld [smem:$0x3F9A]  }
0x31: {  	[smem:$0x3FA3] =	sst s10  }
0x32: {  	s10 =	sld [smem:$0x3FA1];
	_ =	sdelay $0x3  }
0x33: {  	p0 =	seq.s32 s10, $0x1;
	s10 =	sld [smem:$0x3FA3];
	_ =	sdelay $0x3  }
0x34: {  	[smem:$0x3FA3] =	sst s10  }
0x35: {  	s10 =	sld [smem:$0x3FA2];
	_ =	sdelay $0x3  }
0x36: {  	p1 =	seq.s32 s10, $0x1;
	s10 =	sld [smem:$0x3FA3];
	_ =	sdelay $0x3  }
0x37: {  	[smem:$0x3FA3] =	sst s10  }
0x38: {  	s10 =	sld [smem:$0x3FA4]  }
0x39: {  	_ = 	snop;
	(pc) =	sbr.ind lr, $3  }
0x3a: {  	_ = 	snop  }
0x3b: {  	_ = 	snop  }
0x3c: {  	p2 =	seq.s32 s10, $0x1;
	s10 =	sld [smem:$0x3FA3]  }
0x3d: {  	_ =	shalt  }
0x3e: {  	_ =	shalt  }
0x3f: {  	_ =	shalt  }
0x40: {  	_ =	shalt  }
0x41: {  	_ =	shalt  }
0x42: {  	_ =	shalt  }
0x43: {  	_ =	shalt  }
0x44: {  	_ =	shalt  }
0x45: {  	_ =	shalt  }
0x46: {  	_ =	shalt  }
0x47: {  	_ =	shalt  }
0x48: {  	_ =	shalt  }
0x49: {  	_ =	shalt  }
0x4a: {  	_ =	shalt  }
0x4b: {  	_ =	shalt  }
0x4c: {  	_ =	shalt  }
0x4d: {  	_ =	shalt  }
0x4e: {  	_ =	shalt  }
0x4f: {  	_ =	shalt  }
0x50: {  	_ =	shalt  }
0x51: {  	_ =	shalt  }
0x52: {  	_ =	shalt  }
0x53: {  	_ =	shalt  }
0x54: {  	_ =	shalt  }
0x55: {  	_ =	shalt  }
0x56: {  	_ =	shalt  }
0x57: {  	_ =	shalt  }
0x58: {  	_ =	shalt  }
0x59: {  	_ =	shalt  }
0x5a: {  	_ =	shalt  }
0x5b: {  	_ =	shalt  }
0x5c: {  	_ =	shalt  }
0x5d: {  	_ =	shalt  }
0x5e: {  	_ =	shalt  }
0x5f: {  	_ =	shalt  }
0x60: {  	_ =	shalt  }
0x61: {  	_ =	shalt  }
0x62: {  	_ =	shalt  }
0x63: {  	_ =	shalt  }
0x64: {  	_ =	shalt  }
0x65: {  	_ =	shalt  }
0x66: {  	_ =	shalt  }
0x67: {  	_ =	shalt  }
0x68: {  	_ =	shalt  }
0x69: {  	_ =	shalt  }
0x6a: {  	_ =	shalt  }
0x6b: {  	_ =	shalt  }
0x6c: {  	_ =	shalt  }
0x6d: {  	_ =	shalt  }
0x6e: {  	_ =	shalt  }
0x6f: {  	_ =	shalt  }
0x70: {  	_ =	shalt  }
0x71: {  	_ =	shalt  }
0x72: {  	_ =	shalt  }
0x73: {  	_ =	shalt  }
0x74: {  	_ =	shalt  }
0x75: {  	_ =	shalt  }
0x76: {  	_ =	shalt  }
0x77: {  	_ =	shalt  }
0x78: {  	_ =	shalt  }
0x79: {  	_ =	shalt  }
0x7a: {  	_ =	shalt  }
0x7b: {  	_ =	shalt  }
0x7c: {  	_ =	shalt  }
0x7d: {  	_ =	shalt  }
0x7e: {  	_ =	shalt  }
0x7f: {  	_ =	shalt  }
0x80: {  	_ =	shalt  }
0x81: {  	_ =	shalt  }
0x82: {  	_ =	shalt  }
0x83: {  	_ =	shalt  }
0x84: {  	_ =	shalt  }
0x85: {  	_ =	shalt  }
0x86: {  	_ =	shalt  }
0x87: {  	_ =	shalt  }
.Lfunc_end0:
.L_simem_size_0:
called_computation.1_lowered:
.L_overlay_start_0:
0x88: {  	s2 =	sld [smem:$0x3FD9]  }
0x89: {  	s3 =	sld [smem:$0x3FFE];
	_ =	sdelay $0x1  }
0x8a: {  	s1 =	srdreg.scid  }
0x8b: {  	s0 =	sand.u32 $0x1, s1  }
0x8c: {  	s16 =	sshll.u32 s0, $0xA;
	s2 =	sadd.s32 s3, s2  }
0x8d: {  	s2 =	sadd.s32 s2, s16  }
0x8e: {  	[smem:$0x3FAF] =	sst s2  }
0x8f: {  	_ = 	snop  }
0x90: {  	(tm) =	ssettm $0x1  }
0x91: {  	s17 =	sld [smem:$0x3FFB];
	_ =	sdelay $0x3  }
0x92: {  	_ =	strace s17  }
0x93: {  	s2 =	sld [smem:$0x3FFC];
	_ =	sdelay $0x3  }
0x94: {  	_ =	strace s2  }
0x95: {  	s2 =	sld [smem:$0x3FFD];
	_ =	sdelay $0x3  }
0x96: {  	_ =	strace s2  }
0x97: {  	_ =	strace $0x8FFFFFFF  }
0x98: {  	s18 =	sld [smem:$0x3FDB];
	_ =	sdelay $0x1  }
0x99: {  	s19 =	simm.s32 $_scs_section_size  }
0x9a: {  	s4 =	simm.s32 $_size__tile_overlayer_lowered;
	s5 =	simm.s32 $_tile_overlayer_lowered  }
0x9b: {  	s22 =	simm.s32 $0x1BFF;
	s21 =	sshll.u32 s5, $0x1;
	s2 =	sadd.s32 s19, s18  }
0x9c: {  	s6 =	simm.s32 $0x0;
	s20 =	sshll.u32 s4, $0x1;
	s4 =	sadd.s32 s21, s2  }
0x9d: {  	[timem:s6], [sflag:s22] =	dma.local [hbm:s4], s20  }
0x9e: {  	_ =	swait.ge [sflag:s22], s20  }
0x9f: {  	s3 =	ssub.s32 $0x0, s20;
	[sflag:s22] =	ssyncset.done $0x0  }
0xa0: {  	[sflag:s22] =	ssyncadd.s32 s3;
	_ =	sdelay $0x1  }
0xa1: {  	s23 =	simm.s32 $0x1B8B  }
0xa2: {  	_ =	swait.ge [sflag:s23], $0x1  }
0xa3: {  	[sflag:s23] =	ssyncset.done $0x0  }
0xa4: {  	s25 =	simm.s32 $0x1B8E;
	s24 =	sld [smem:$0x3FFE];
	[sflag:s23] =	ssyncadd.s32 $0xFFFFFFFF  }
0xa5: {  	s26 =	simm.s32 $execute0_lowered;
	[smem:$0x3FD2] =	sst s25  }
0xa6: {  	s4 =	sshll.u32 s26, $0x1;
	_ =	strace $0x80000049;
	[dreg:$0x1] =	wrdreg $0xFFFFFFFF  }
0xa7: {  	s28 =	simm.s32 $_size_execute0_lowered;
	s2 =	sadd.s32 s2, s4;
	[dreg:$0x0] =	wrdreg $0x0  }
0xa8: {  	s4 =	sshll.u32 s28, $0x1;
	[dreg:$0x2] =	wrdreg s2  }
0xa9: {  	[dreg:$0x3] =	wrdreg s4  }
0xaa: {  	[dreg:$0x4] =	wrdreg $0xC0  }
0xab: {  	_ =	task [dreg:s6], $0x5FFFF  }
0xac: {  	[dreg:$0x1] =	wrdreg $0xFFFFFFFF  }
0xad: {  	[dreg:$0x0] =	wrdreg $0x60  }
0xae: {  	[dreg:$0x2] =	wrdreg s24  }
0xaf: {  	[dreg:$0x3] =	wrdreg $0xAA000  }
0xb0: {  	[dreg:$0x4] =	wrdreg $0x9  }
0xb1: {  	_ =	task.clear_ibuf [dreg:s6], $0x5FFFF;
	_ =	strace $0x90000049  }
0xb2: {  	s29 =	simm.s32 $0x9;
	_ =	strace $0x8000004B  }
0xb3: {  	_ =	swait.ge [sflag:s29], $0x1  }
0xb4: {  	[sflag:s29] =	ssyncadd.s32 $0xFFFFFFFF  }
0xb5: {  	_ =	strace $0x9000004B  }
0xb6: {  	_ =	sfence  }
0xb7: {  	s30 =	sld [smem:$0x0];
	_ =	sdelay $0x2  }
0xb8: {  	s31 =	sshll.u32 s1, $0xD;
	s1 =	sshrl.u32 s1, $0x2  }
0xb9: {  	s3 =	sand.u32 $0x4000, s31;
	s1 =	sadd.s32 s1, s30  }
0xba: {  	s0 =	sor.u32 s3, s0;
	s1 =	sshll.u32 s1, $0x11  }
0xbb: {  	s0 =	sor.u32 s1, s0  }
0xbc: {  	s0 =	sadd.s32 $0x8F2B, s0  }
0xbd: {  	[sflag:s0] =	ssyncadd.remote.s32 $0x1  }
0xbe: {  	_ =	sfence.sel $0xFFFF  }
0xbf: {  	[dreg:$0x0] =	wrdreg $0xFFFFFFFF;
	(pc) =	sbr.abs _section_cstart, $3  }
0xc0: {  	[dreg:$0x1] =	wrdreg $0xFFFFFFFF  }
0xc1: {  	_ =	task.clear_ibuf [dreg:s6], $0x2FFFF;
	_ =	strace $0x9FFFFFFF  }
0xc2: {  	(tm) =	ssettm $0x7FFFFFFF  }
0xc3: {  	_ =	shalt  }
tec
execute0_lowered:
.L_overlay_start_1:
0x0: {  	(tag) =	ssettag $0x1  }
0x1: {  	s7 =	rddreg [dreg:$0x0]  }
0x2: {  	s0 =	srdreg.scid;
	s2 =	rddreg [dreg:$0x1]  }
0x3: {  	s3 =	simm.s32 $0x0;
	s17 =	simm.s32 $0x2A00;
	s18 =	simm.s32 $0x1  }
0x4: {  	s19 =	simm.s32 $0x2900;
	s5 =	sand.u32 $0x1, s0;
	s0 =	stileid.u32  }
0x5: {  	s20 =	simm.s32 $0x6A00;
	s21 =	simm.s32 $0x2880;
	s8 =	smul.u32 $0x2780, s0  }
0x6: {  	s22 =	simm.s32 $0x2980;
	[smem:$0x7FF] =	sst s3;
	s9 =	smul.u32 $0x4F000, s0  }
0x7: {  	s11 =	sadd.s32 $0x5D400, s7;
	s15 =	sadd.s32 $0x13C000, s2;
	s25 =	smul.u32 $0x138800, s5  }
0x8: {  	s1 =	sshll.u32 s5, $0x4;
	s24 =	ssub.s32 $0x2, s5;
	s14 =	smul.u32 $0x13800, s0  }
0x9: {  	s26 =	sshll.u32 s0, $0x6;
	s16 =	smul.u32 $0x4E000, s0;
	p0 =	sne.s32 s0, $0xF  }
0xa: {  	s4 =	sor.u32 s0, s1;
	s1 =	rddreg [dreg:$0x2];
	_ =	strace $0x8000004A  }
0xb: {  	s12 =	sshrl.u32 s24, $0x1;
	s6 =	smul.u32 $0x500, s4;
	s4 =	sadd.s32 $0xE800, s7  }
0xc: {  	s23 =	sadd.s32 s8, s7;
	s9 =	sshrl.u32 s9, $0x2;
	s12 =	ssub.s32 s24, s12  }
0xd: {  	s28 =	sadd.s32 s14, s25;
	s29 =	sshrl.u32 s16, $0x2;
	s30 =	sshrl.u32 s25, $0x3  }
0xe: {  	s24 =	sadd.s32 $0x138000, s2;
	s14 =	sshrl.u32 @!p0 s15, $0x3;
	s15 =	simm.s32 $0x80  }
0xf: {  	s16 =	simm.s32 $0x2800;
	s25 =	simm.s32 $0x0;
	s13 =	sadd.s32 s9, s2  }
0x10: {  	s5 =	sadd.s32 $0x35A00, s23;
	s23 =	sadd.s32 s29, s2;
	s31 =	sadd.s32 s11, s30  }
0x11: {  	s24 =	sshrl.u32 @!p0 s24, $0x3;
	s10 =	sadd.s32 s6, s7;
	s6 =	sor.u32 $0x1C02, s26  }
0x12: {  	s7 =	sadd.s32 $0x5D200, s7;
	s8 =	sadd.s32 $0x4800, s10;
	s10 =	sshrl.u32 s28, $0x3  }
0x13: {  	s23 =	sshrl.u32 s23, $0x3;
	s9 =	sadd.s32 s11, s10;
	s10 =	sadd.s32 $0x27000, s31  }
0x14: {  	s11 =	smax.u32 s12, $0x1;
	s12 =	sshrl.u32 s13, $0x3;
	s13 =	simm.s32 $0x2  }
.LBB2_1:
0x15: {  	[spmem:s12], [sflag:s6] =	dma.local [hbm:s5], $0x2780  }
0x16: {  	_ =	swait.ge [sflag:s13], $0x2780  }
0x17: {  	[sflag:s13] =	ssyncset.done $0x0  }
0x18: {  	s26 =	simm.s32 @!p0 $0x2;
	[sflag:s13] =	ssyncadd.s32 $0xFFFFD880  }
0x19: {  	[spmem:s14], [sflag:s6] =	dma.local @!p0 [hbm:s7], $0x100  }
0x1a: {  	_ =	swait.ge @!p0 [sflag:s26], $0x100  }
0x1b: {  	[sflag:s26] =	ssyncset.done @!p0 $0x0  }
0x1c: {  	[sflag:s26] =	ssyncadd.s32 @!p0 $0xFFFFFF00  }
0x1d: {  	[tilespmem:s3], [sflag:$0x2] =	stream.linear.gather [hbm4b:s8+s3], $0x2800, $0x38;
	[tilespmem:$0x1E680] =	vst v63  }
0x1e: {  	_ =	swait.ge [sflag:s13], $0x2800  }
0x1f: {  	[sflag:s13] =	ssyncset.done $0x0  }
0x20: {  	[sflag:s13] =	ssyncadd.s32 $0xFFFFD800  }
0x21: {  	[bflag:$0x0] =	sbarrier.arrive $0xFFFF  }
0x22: {  	v0 =	vld [tilespmem:$0x0];
	_ =	sdelay $0x1  }
0x23: {  	v1 =	vld [tilespmem:$0x10];
	_ =	sdelay $0x1  }
0x24: {  	v2 =	vld [tilespmem:$0x20]  }
0x25: {  	v3 =	vand.u32 $0x3FFF, v0  }
0x26: {  	v29 =	vld [tilespmem:$0x30];
	v0 =	vshrl.u32 v0, $0xE;
	[tilespmem:$0x2800] =	vst v3  }
0x27: {  	v30 =	vand.u32 $0x3FFF, v1;
	[tilespmem:$0x2880] =	vst v0  }
0x28: {  	v32 =	vld [tilespmem:$0x40];
	v31 =	vshrl.u32 v1, $0xE;
	[tilespmem:$0x2810] =	vst v30  }
0x29: {  	v33 =	vand.u32 $0x3FFF, v2;
	[tilespmem:$0x2890] =	vst v31  }
0x2a: {  	v35 =	vld [tilespmem:$0x50];
	v34 =	vshrl.u32 v2, $0xE;
	[tilespmem:$0x2820] =	vst v33  }
0x2b: {  	v36 =	vand.u32 $0x3FFF, v29;
	[tilespmem:$0x28A0] =	vst v34  }
0x2c: {  	v38 =	vld [tilespmem:$0x60];
	v37 =	vshrl.u32 v29, $0xE;
	[tilespmem:$0x2830] =	vst v36  }
0x2d: {  	v39 =	vand.u32 $0x3FFF, v32;
	[tilespmem:$0x28B0] =	vst v37  }
0x2e: {  	v41 =	vld [tilespmem:$0x70];
	v40 =	vshrl.u32 v32, $0xE;
	[tilespmem:$0x2840] =	vst v39  }
0x2f: {  	v42 =	vand.u32 $0x3FFF, v35;
	[tilespmem:$0x28C0] =	vst v40  }
0x30: {  	v43 =	vshrl.u32 v35, $0xE;
	[tilespmem:$0x2850] =	vst v42  }
0x31: {  	v44 =	vand.u32 $0x3FFF, v38;
	[tilespmem:$0x28D0] =	vst v43  }
0x32: {  	v45 =	vshrl.u32 v38, $0xE;
	[tilespmem:$0x2860] =	vst v44  }
0x33: {  	v46 =	vand.u32 $0x3FFF, v41;
	[tilespmem:$0x28E0] =	vst v45  }
0x34: {  	v47 =	vshrl.u32 v41, $0xE;
	[tilespmem:$0x2870] =	vst v46  }
0x35: {  	s26 =	simm.s32 $0xF0;
	[tilespmem:$0x28F0] =	vst v47  }
0x36: {  	[tilespmem:s17], [sflag:$0x1] =	stream.indirect.gather [hbm4b:s4+s15], $0x80, s16, s15, $0xb8;
	[tilespmem:$0x1E680] =	vst v63  }
0x37: {  	v0 =	vld [tilespmem:s26+$0xFFFFFF90];
	_ =	sdelay $0x4  }
0x38: {  	v48 =	vand.u32 $0x3FFF, v0  }
0x39: {  	v0 =	vshrl.u32 v0, $0xE;
	[tilespmem:$0x2900] =	vst v48  }
0x3a: {  	[tilespmem:$0x2980] =	vst v0  }
0x3b: {  	v0 =	vld [tilespmem:s26+$0xFFFFFFA0];
	_ =	sdelay $0x4  }
0x3c: {  	v49 =	vand.u32 $0x3FFF, v0  }
0x3d: {  	v0 =	vshrl.u32 v0, $0xE;
	[tilespmem:$0x2910] =	vst v49  }
0x3e: {  	[tilespmem:$0x2990] =	vst v0  }
0x3f: {  	v0 =	vld [tilespmem:s26+$0xFFFFFFB0];
	_ =	sdelay $0x4  }
0x40: {  	v50 =	vand.u32 $0x3FFF, v0  }
0x41: {  	v0 =	vshrl.u32 v0, $0xE;
	[tilespmem:$0x2920] =	vst v50  }
0x42: {  	[tilespmem:$0x29A0] =	vst v0  }
0x43: {  	v0 =	vld [tilespmem:s26+$0xFFFFFFC0];
	_ =	sdelay $0x4  }
0x44: {  	v51 =	vand.u32 $0x3FFF, v0  }
0x45: {  	v0 =	vshrl.u32 v0, $0xE;
	[tilespmem:$0x2930] =	vst v51  }
0x46: {  	[tilespmem:$0x29B0] =	vst v0  }
0x47: {  	v0 =	vld [tilespmem:s26+$0xFFFFFFD0];
	_ =	sdelay $0x4  }
0x48: {  	v52 =	vand.u32 $0x3FFF, v0  }
0x49: {  	v0 =	vshrl.u32 v0, $0xE;
	[tilespmem:$0x2940] =	vst v52  }
0x4a: {  	[tilespmem:$0x29C0] =	vst v0  }
0x4b: {  	v0 =	vld [tilespmem:s26+$0xFFFFFFE0];
	_ =	sdelay $0x4  }
0x4c: {  	v53 =	vand.u32 $0x3FFF, v0  }
0x4d: {  	v0 =	vshrl.u32 v0, $0xE;
	[tilespmem:$0x2950] =	vst v53  }
0x4e: {  	[tilespmem:$0x29D0] =	vst v0  }
0x4f: {  	v0 =	vld [tilespmem:s26+$0xFFFFFFF0];
	_ =	sdelay $0x4  }
0x50: {  	v54 =	vand.u32 $0x3FFF, v0  }
0x51: {  	v0 =	vshrl.u32 v0, $0xE;
	[tilespmem:$0x2960] =	vst v54  }
0x52: {  	[tilespmem:$0x29E0] =	vst v0  }
0x53: {  	v0 =	vld [tilespmem:s26+$0x0];
	_ =	sdelay $0x4  }
0x54: {  	v55 =	vand.u32 $0x3FFF, v0  }
0x55: {  	v0 =	vshrl.u32 v0, $0xE;
	[tilespmem:$0x2970] =	vst v55  }
0x56: {  	[tilespmem:$0x29F0] =	vst v0  }
0x57: {  	_ =	swait.ge [sflag:s18], $0x4000  }
0x58: {  	[sflag:s18] =	ssyncset.done $0x0  }
0x59: {  	[sflag:s18] =	ssyncadd.s32 $0xFFFFC000  }
0x5a: {  	[tilespmem:s20], [sflag:$0x1] =	stream.indirect.gather [hbm4b:s4+s15], $0x80, s19, s15, $0xb8;
	[tilespmem:$0x1E680] =	vst v63  }
0x5b: {  	p1 =	por $0x1, $0x1;
	s28 =	simm.s32 $0x0  }
0x5c: {  	[spmem:s2] =	stream.indirect.scatter.add.f32 [tilespmem:s17], [sflag:$0x2], $0x80, s21, s15, $0xb8;
	[tilespmem:$0x1E680] =	vst v63  }
0x5d: {  	s28 =	simm.s32 @!p1 $0x4D;
	_ =	swait.ge [sflag:s13], $0x4000  }
0x5e: {  	s28 =	sshll.u32 s28, $0x7;
	[sflag:s13] =	ssyncset.done $0x0  }
0x5f: {  	s29 =	sand.u32 $0x3FFFFF80, s28;
	[sflag:s13] =	ssyncadd.s32 $0xFFFFC000  }
0x60: {  	v56 =	vld [tilespmem:s29+$0x100];
	_ =	sdelay $0x4  }
0x61: {  	v57 =	vand.u32 $0x3FFF, v56  }
0x62: {  	v0 =	vshrl.u32 v56, $0xE;
	[tilespmem:$0x2800] =	vst v57  }
0x63: {  	[tilespmem:$0x2880] =	vst v0  }
0x64: {  	v0 =	vld [tilespmem:s29+$0x110];
	_ =	sdelay $0x4  }
0x65: {  	v58 =	vand.u32 $0x3FFF, v0  }
0x66: {  	v0 =	vshrl.u32 v0, $0xE;
	[tilespmem:$0x2810] =	vst v58  }
0x67: {  	[tilespmem:$0x2890] =	vst v0  }
0x68: {  	v0 =	vld [tilespmem:s29+$0x120];
	_ =	sdelay $0x4  }
0x69: {  	v59 =	vand.u32 $0x3FFF, v0  }
0x6a: {  	v0 =	vshrl.u32 v0, $0xE;
	[tilespmem:$0x2820] =	vst v59  }
0x6b: {  	[tilespmem:$0x28A0] =	vst v0  }
0x6c: {  	v0 =	vld [tilespmem:s29+$0x130];
	_ =	sdelay $0x4  }
0x6d: {  	v60 =	vand.u32 $0x3FFF, v0  }
0x6e: {  	v0 =	vshrl.u32 v0, $0xE;
	[tilespmem:$0x2830] =	vst v60  }
0x6f: {  	[tilespmem:$0x28B0] =	vst v0  }
0x70: {  	v0 =	vld [tilespmem:s29+$0x140];
	_ =	sdelay $0x4  }
0x71: {  	v61 =	vand.u32 $0x3FFF, v0  }
0x72: {  	v0 =	vshrl.u32 v0, $0xE;
	[tilespmem:$0x2840] =	vst v61  }
0x73: {  	[tilespmem:$0x28C0] =	vst v0  }
0x74: {  	v0 =	vld [tilespmem:s29+$0x150];
	_ =	sdelay $0x4  }
0x75: {  	v62 =	vand.u32 $0x3FFF, v0  }
0x76: {  	v0 =	vshrl.u32 v0, $0xE;
	[tilespmem:$0x2850] =	vst v62  }
0x77: {  	[tilespmem:$0x28D0] =	vst v0  }
0x78: {  	v0 =	vld [tilespmem:s29+$0x160];
	_ =	sdelay $0x4  }
0x79: {  	v63 =	vand.u32 $0x3FFF, v0  }
0x7a: {  	v0 =	vshrl.u32 v0, $0xE;
	[tilespmem:$0x2860] =	vst v63  }
0x7b: {  	s28 =	simm.s32 $0x2;
	[tilespmem:$0x28E0] =	vst v0  }
.LBB2_2:
0x7c: {  	p1 =	sne.s32 s28, $0x4E  }
0x7d: {  	v0 =	vld [tilespmem:s29+$0x170];
	s26 =	sadd.s32 $0x100, s26;
	s29 =	smov.u32 s28;
	s28 =	sadd.s32 $0x2, s28  }
0x7e: {  	_ =	sdelay $0x3  }
0x7f: {  	v1 =	vand.u32 $0x3FFF, v0;
	v0 =	vshrl.u32 v0, $0xE  }
0x80: {  	[tilespmem:$0x2870] =	vst v1  }
0x81: {  	[tilespmem:$0x28F0] =	vst v0  }
0x82: {  	_ =	swait.ge [sflag:s18], $0x4000  }
0x83: {  	[sflag:s18] =	ssyncset.done $0x0  }
0x84: {  	[sflag:s18] =	ssyncadd.s32 $0xFFFFC000  }
0x85: {  	[tilespmem:s17], [sflag:$0x1] =	stream.indirect.gather [hbm4b:s4+s15], $0x80, s16, s15, $0xb8;
	[tilespmem:$0x1E680] =	vst v63  }
0x86: {  	_ = 	snop  }
0x87: {  	[spmem:s2] =	stream.indirect.scatter.add.f32 [tilespmem:s20], [sflag:$0x2], $0x80, s22, s15, $0xb8;
	[tilespmem:$0x1E680] =	vst v63  }
0x88: {  	_ =	swait.ge [sflag:s13], $0x4000  }
0x89: {  	[sflag:s13] =	ssyncset.done $0x0  }
0x8a: {  	[sflag:s13] =	ssyncadd.s32 $0xFFFFC000  }
0x8b: {  	v0 =	vld [tilespmem:s26+$0xFFFFFF90];
	_ =	sdelay $0x4  }
0x8c: {  	v1 =	vand.u32 $0x3FFF, v0;
	v0 =	vshrl.u32 v0, $0xE  }
0x8d: {  	[tilespmem:$0x2900] =	vst v1  }
0x8e: {  	[tilespmem:$0x2980] =	vst v0  }
0x8f: {  	v0 =	vld [tilespmem:s26+$0xFFFFFFA0];
	_ =	sdelay $0x4  }
0x90: {  	v1 =	vand.u32 $0x3FFF, v0;
	v0 =	vshrl.u32 v0, $0xE  }
0x91: {  	[tilespmem:$0x2910] =	vst v1  }
0x92: {  	[tilespmem:$0x2990] =	vst v0  }
0x93: {  	v0 =	vld [tilespmem:s26+$0xFFFFFFB0];
	_ =	sdelay $0x4  }
0x94: {  	v1 =	vand.u32 $0x3FFF, v0;
	v0 =	vshrl.u32 v0, $0xE  }
0x95: {  	[tilespmem:$0x2920] =	vst v1  }
0x96: {  	[tilespmem:$0x29A0] =	vst v0  }
0x97: {  	v0 =	vld [tilespmem:s26+$0xFFFFFFC0];
	_ =	sdelay $0x4  }
0x98: {  	v1 =	vand.u32 $0x3FFF, v0;
	v0 =	vshrl.u32 v0, $0xE  }
0x99: {  	[tilespmem:$0x2930] =	vst v1  }
0x9a: {  	[tilespmem:$0x29B0] =	vst v0  }
0x9b: {  	v0 =	vld [tilespmem:s26+$0xFFFFFFD0];
	_ =	sdelay $0x4  }
0x9c: {  	v1 =	vand.u32 $0x3FFF, v0;
	v0 =	vshrl.u32 v0, $0xE  }
0x9d: {  	[tilespmem:$0x2940] =	vst v1  }
0x9e: {  	[tilespmem:$0x29C0] =	vst v0  }
0x9f: {  	v0 =	vld [tilespmem:s26+$0xFFFFFFE0];
	_ =	sdelay $0x4  }
0xa0: {  	v1 =	vand.u32 $0x3FFF, v0;
	v0 =	vshrl.u32 v0, $0xE  }
0xa1: {  	[tilespmem:$0x2950] =	vst v1  }
0xa2: {  	[tilespmem:$0x29D0] =	vst v0  }
0xa3: {  	v0 =	vld [tilespmem:s26+$0xFFFFFFF0];
	_ =	sdelay $0x4  }
0xa4: {  	v1 =	vand.u32 $0x3FFF, v0;
	v0 =	vshrl.u32 v0, $0xE  }
0xa5: {  	[tilespmem:$0x2960] =	vst v1  }
0xa6: {  	[tilespmem:$0x29E0] =	vst v0  }
0xa7: {  	v0 =	vld [tilespmem:s26+$0x0];
	_ =	sdelay $0x4  }
0xa8: {  	p2 =	slt.s32 s29, $0x4D;
	v1 =	vand.u32 $0x3FFF, v0;
	v0 =	vshrl.u32 v0, $0xE  }
0xa9: {  	s29 =	simm.s32 @!p2 $0x4D;
	[tilespmem:$0x2970] =	vst v1  }
0xaa: {  	s29 =	sshll.u32 s29, $0x7;
	[tilespmem:$0x29F0] =	vst v0  }
0xab: {  	s29 =	sand.u32 $0x3FFFFF80, s29;
	_ =	swait.ge [sflag:s18], $0x4000  }
0xac: {  	[sflag:s18] =	ssyncset.done $0x0  }
0xad: {  	[sflag:s18] =	ssyncadd.s32 $0xFFFFC000  }
0xae: {  	[tilespmem:s20], [sflag:$0x1] =	stream.indirect.gather [hbm4b:s4+s15], $0x80, s19, s15, $0xb8;
	[tilespmem:$0x1E680] =	vst v63  }
0xaf: {  	_ = 	snop  }
0xb0: {  	[spmem:s2] =	stream.indirect.scatter.add.f32 [tilespmem:s17], [sflag:$0x2], $0x80, s21, s15, $0xb8;
	[tilespmem:$0x1E680] =	vst v63  }
0xb1: {  	_ =	swait.ge [sflag:s13], $0x4000  }
0xb2: {  	[sflag:s13] =	ssyncset.done $0x0  }
0xb3: {  	[sflag:s13] =	ssyncadd.s32 $0xFFFFC000  }
0xb4: {  	v0 =	vld [tilespmem:s29+$0x100];
	_ =	sdelay $0x4  }
0xb5: {  	v1 =	vand.u32 $0x3FFF, v0;
	v0 =	vshrl.u32 v0, $0xE  }
0xb6: {  	[tilespmem:$0x2800] =	vst v1  }
0xb7: {  	[tilespmem:$0x2880] =	vst v0  }
0xb8: {  	v0 =	vld [tilespmem:s29+$0x110];
	_ =	sdelay $0x4  }
0xb9: {  	v1 =	vand.u32 $0x3FFF, v0;
	v0 =	vshrl.u32 v0, $0xE  }
0xba: {  	[tilespmem:$0x2810] =	vst v1  }
0xbb: {  	[tilespmem:$0x2890] =	vst v0  }
0xbc: {  	v0 =	vld [tilespmem:s29+$0x120];
	_ =	sdelay $0x4  }
0xbd: {  	v1 =	vand.u32 $0x3FFF, v0;
	v0 =	vshrl.u32 v0, $0xE  }
0xbe: {  	[tilespmem:$0x2820] =	vst v1  }
0xbf: {  	[tilespmem:$0x28A0] =	vst v0  }
0xc0: {  	v0 =	vld [tilespmem:s29+$0x130];
	_ =	sdelay $0x4  }
0xc1: {  	v1 =	vand.u32 $0x3FFF, v0;
	v0 =	vshrl.u32 v0, $0xE  }
0xc2: {  	[tilespmem:$0x2830] =	vst v1  }
0xc3: {  	[tilespmem:$0x28B0] =	vst v0  }
0xc4: {  	v0 =	vld [tilespmem:s29+$0x140];
	_ =	sdelay $0x4  }
0xc5: {  	v1 =	vand.u32 $0x3FFF, v0;
	v0 =	vshrl.u32 v0, $0xE  }
0xc6: {  	[tilespmem:$0x2840] =	vst v1  }
0xc7: {  	[tilespmem:$0x28C0] =	vst v0  }
0xc8: {  	v0 =	vld [tilespmem:s29+$0x150];
	_ =	sdelay $0x4  }
0xc9: {  	v1 =	vand.u32 $0x3FFF, v0;
	v0 =	vshrl.u32 v0, $0xE  }
0xca: {  	[tilespmem:$0x2850] =	vst v1  }
0xcb: {  	[tilespmem:$0x28D0] =	vst v0  }
0xcc: {  	v0 =	vld [tilespmem:s29+$0x160];
	_ =	sdelay $0x2  }
.Ltmp0:
0xcd: {  	(pc) =	sbr.rel @p1 .LBB2_2-.Ltmp0, $4  }
0xce: {  	_ = 	snop  }
0xcf: {  	v1 =	vand.u32 $0x3FFF, v0;
	v0 =	vshrl.u32 v0, $0xE  }
0xd0: {  	[tilespmem:$0x2860] =	vst v1  }
0xd1: {  	[tilespmem:$0x28E0] =	vst v0  }
0xd2: {  	v0 =	vld [tilespmem:s29+$0x170];
	_ =	sdelay $0x4  }
0xd3: {  	v1 =	vand.u32 $0x3FFF, v0  }
0xd4: {  	v0 =	vshrl.u32 v0, $0xE;
	[tilespmem:$0x2870] =	vst v1  }
0xd5: {  	[tilespmem:$0x28F0] =	vst v0  }
0xd6: {  	_ =	swait.ge [sflag:s18], $0x4000  }
0xd7: {  	[sflag:s18] =	ssyncset.done $0x0  }
0xd8: {  	[sflag:s18] =	ssyncadd.s32 $0xFFFFC000  }
0xd9: {  	[tilespmem:s17], [sflag:$0x1] =	stream.indirect.gather [hbm4b:s4+s15], $0x80, s16, s15, $0xb8;
	[tilespmem:$0x1E680] =	vst v63  }
0xda: {  	_ = 	snop  }
0xdb: {  	[spmem:s2] =	stream.indirect.scatter.add.f32 [tilespmem:s20], [sflag:$0x2], $0x80, s22, s15, $0xb8;
	[tilespmem:$0x1E680] =	vst v63  }
0xdc: {  	_ =	swait.ge [sflag:s13], $0x4000  }
0xdd: {  	[sflag:s13] =	ssyncset.done $0x0  }
0xde: {  	[sflag:s13] =	ssyncadd.s32 $0xFFFFC000  }
0xdf: {  	_ =	swait.ge [sflag:s18], $0x4000  }
0xe0: {  	[sflag:s18] =	ssyncset.done $0x0  }
0xe1: {  	[sflag:s18] =	ssyncadd.s32 $0xFFFFC000  }
0xe2: {  	[bflag:$0x0] =	sbarrier.arrive $0xFFFF  }
0xe3: {  	[hbm:s9], [sflag:s6] =	dma.local [spmem:s23], $0x2700  }
0xe4: {  	s25 =	sadd.s32 $0x1, s25;
	_ =	swait.ge [sflag:s13], $0x2700  }
0xe5: {  	p1 =	sne.s32 s25, s11;
	[sflag:s13] =	ssyncset.done $0x0  }
.Ltmp1:
0xe6: {  	s26 =	simm.s32 @!p0 $0x2;
	[sflag:s13] =	ssyncadd.s32 $0xFFFFD900;
	(pc) =	sbr.rel @p1 .LBB2_1-.Ltmp1, $4  }
0xe7: {  	[hbm:s10], [sflag:s6] =	dma.local @!p0 [spmem:s24], $0x100  }
0xe8: {  	_ =	swait.ge @!p0 [sflag:s26], $0x100  }
0xe9: {  	[sflag:s26] =	ssyncset.done @!p0 $0x0  }
0xea: {  	[sflag:s26] =	ssyncadd.s32 @!p0 $0xFFFFFF00  }
0xeb: {  	_ =	sfence.sel $0x180000  }
0xec: {  	[bflag:$0x0] =	sbarrier.arrive $0xFFFF  }
0xed: {  	p0 =	sne.s32 s0, $0x0;
	_ =	strace $0x9000004A  }
0xee: {  	s0 =	sadd.s32 @!p0 $0x100000, s1;
	[bflag:$0x2] =	sbarrier.arrive $0xFFFF  }
0xef: {  	[sflag:s0] =	ssyncadd.tile.s32 @!p0 $0x1;
	_ =	shalt  }
.Lfunc_end2:
_tile_overlayer_lowered:
.L_overlay_start_2:
0xf0: {  	(tag) =	ssettag $0x2  }
0xf1: {  	s0 =	rddreg [dreg:$0x0];
	s2 =	stileid.u32  }
0xf2: {  	s1 =	rddreg [dreg:$0x1];
	p0 =	sne.s32 s2, $0x0  }
0xf3: {  	s3 =	rddreg [dreg:$0x2];
	[bflag:$0x3] =	sbarrier.arrive $0xFFFF;
	s2 =	simm.s32 @!p0 $0x1C02  }
0xf4: {  	[timem:s3], [sflag:s2] =	dma.local @!p0 [hbm:s0], s1  }
0xf5: {  	s0 =	simm.s32 @!p0 $0x2  }
0xf6: {  	_ =	swait.ge @!p0 [sflag:s0], s1  }
0xf7: {  	s1 =	ssub.s32 @!p0 $0x0, s1;
	[sflag:s0] =	ssyncset.done @!p0 $0x0  }
0xf8: {  	[sflag:s0] =	ssyncadd.s32 @!p0 s1  }
0xf9: {  	[bflag:$0x3] =	sbarrier.arrive $0xFFFF  }
0xfa: {  	_ =	shalt  }

// kernel: kernel.16.cloned.1.call-start
scs
__scs_entry_jumppad:
0x0: {  	(pc) =	sbr.rel $0x88, $3  }
0x1: {  	(tag) =	ssettag $0x0;
	lr =	simm.s32 $0x1  }
0x2: {  	[smem:$0x3F88] =	sst lr;
	_ =	strace $0xD0000000  }
0x3: {  	_ = 	snop  }
0x4: {  	_ = 	snop  }
0x5: {  	_ = 	snop  }
0x6: {  	_ = 	snop  }
0x7: {  	_ = 	snop  }
__scs_overlays_trampoline_lowered:
0x8: {  	[smem:$0x3F97] =	sst s0  }
0x9: {  	[smem:$0x3F98] =	sst s1  }
0xa: {  	[smem:$0x3F99] =	sst s2  }
0xb: {  	[smem:$0x3F9A] =	sst s3  }
0xc: {  	[smem:$0x3F9B] =	sst s4  }
0xd: {  	[smem:$0x3F9C] =	sst s5  }
0xe: {  	[smem:$0x3F9D] =	sst s6  }
0xf: {  	[smem:$0x3F9E] =	sst s7  }
0x10: {  	[smem:$0x3F9F] =	sst s8  }
0x11: {  	[smem:$0x3FA0] =	sst s9;
	s0 =	simm.s32 @!p0 $0x0  }
0x12: {  	s1 =	sld [smem:$0x3F86];
	s0 =	simm.s32 @p0 $0x1  }
0x13: {  	[smem:$0x3FA1] =	sst s0;
	s0 =	simm.s32 @!p1 $0x0  }
0x14: {  	s2 =	sld [smem:$0x3F85];
	s0 =	simm.s32 @p1 $0x1  }
0x15: {  	[smem:$0x3FA2] =	sst s0;
	s0 =	simm.s32 @!p2 $0x0  }
0x16: {  	s3 =	sld [smem:$0x3FDB];
	s0 =	simm.s32 @p2 $0x1  }
0x17: {  	s4 =	simm.s32 $0x1BF5;
	[smem:$0x3FA4] =	sst s0  }
0x18: {  	s0 =	sld [smem:$0x3F87];
	_ =	swait.ge [sflag:s4], $0x0  }
0x19: {  	s7 =	sld [smem:$0x3F88]  }
0x1a: {  	s8 =	sadd.s32 $0xFFFFE003, lr  }
0x1b: {  	s9 =	sadd.s32 $0xFFFFFEF7, lr;
	s5 =	simm.s32 $0xFFFFFFFF;
	p2 =	slt.u32 s8, $0xFFFFF086  }
0x1c: {  	p1 =	slt.u32 s9, $0xF7A;
	s5 =	simm.s32 @!p2 $0x0  }
0x1d: {  	s5 =	simm.s32 @p1 $0x1;
	p0 =	seq.s32 s7, s2  }
0x1e: {  	s7 =	smul.u32 @!p0 $0xF7A, s2;
	p2 =	seq.s32 @!p0 s5, $0x0  }
0x1f: {  	s9 =	smul.u32 $0xF7A, s1;
	s8 =	simm.s32 @!p0 $0x1BF5;
	p2 =	por !p2, p0  }
0x20: {  	[sflag:s8] =	ssyncset.s32 @!p0 $0xFFFFF086;
	s6 =	sadd.s32 @!p0 s3, s7;
	s7 =	simm.s32 @!p0 $0x108  }
0x21: {  	s3 =	sadd.s32 s3, s9;
	s6 =	sadd.s32 @!p0 $0x88, s6;
	s7 =	simm.s32 @p2 $0x1082  }
0x22: {  	[simem:s7], [sflag:s8] =	dma.local @!p0 [hbm:s6], $0xF7A  }
0x23: {  	s9 =	sor.u32 $0xD0000000, s2;
	s6 =	simm.s32 $0x108;
	_ =	swait.ge @!p0 [sflag:s8], $0x0  }
0x24: {  	s3 =	sadd.s32 $0x88, s3;
	s6 =	simm.s32 @!p1 $0x1082;
	[sflag:s4] =	ssyncset.s32 $0xFFFFF086  }
0x25: {  	[simem:s6], [sflag:s4] =	dma.local [hbm:s3], $0xF7A  }
0x26: {  	[smem:$0x3F88] =	sst s1;
	(tag) =	ssettag s2;
	_ =	strace s9  }
0x27: {  	s1 =	sld [smem:$0x3F98]  }
0x28: {  	s2 =	sld [smem:$0x3F99]  }
0x29: {  	s4 =	sld [smem:$0x3F9B]  }
0x2a: {  	p0 =	seq.s32 s5, $0x0;
	s5 =	sld [smem:$0x3F9C]  }
0x2b: {  	s6 =	sld [smem:$0x3F9D]  }
0x2c: {  	s7 =	sld [smem:$0x3F9E]  }
0x2d: {  	s3 =	simm.s32 $0x108;
	s8 =	sld [smem:$0x3F9F]  }
0x2e: {  	s3 =	simm.s32 @!p0 $0x1082;
	s9 =	sld [smem:$0x3FA0]  }
0x2f: {  	lr =	sadd.s32 s0, s3;
	s0 =	sld [smem:$0x3F97]  }
0x30: {  	s3 =	sld [smem:$0x3F9A]  }
0x31: {  	[smem:$0x3FA3] =	sst s10  }
0x32: {  	s10 =	sld [smem:$0x3FA1];
	_ =	sdelay $0x3  }
0x33: {  	p0 =	seq.s32 s10, $0x1;
	s10 =	sld [smem:$0x3FA3];
	_ =	sdelay $0x3  }
0x34: {  	[smem:$0x3FA3] =	sst s10  }
0x35: {  	s10 =	sld [smem:$0x3FA2];
	_ =	sdelay $0x3  }
0x36: {  	p1 =	seq.s32 s10, $0x1;
	s10 =	sld [smem:$0x3FA3];
	_ =	sdelay $0x3  }
0x37: {  	[smem:$0x3FA3] =	sst s10  }
0x38: {  	s10 =	sld [smem:$0x3FA4]  }
0x39: {  	_ = 	snop;
	(pc) =	sbr.ind lr, $3  }
0x3a: {  	_ = 	snop  }
0x3b: {  	_ = 	snop  }
0x3c: {  	p2 =	seq.s32 s10, $0x1;
	s10 =	sld [smem:$0x3FA3]  }
0x3d: {  	_ =	shalt  }
0x3e: {  	_ =	shalt  }
0x3f: {  	_ =	shalt  }
0x40: {  	_ =	shalt  }
0x41: {  	_ =	shalt  }
0x42: {  	_ =	shalt  }
0x43: {  	_ =	shalt  }
0x44: {  	_ =	shalt  }
0x45: {  	_ =	shalt  }
0x46: {  	_ =	shalt  }
0x47: {  	_ =	shalt  }
0x48: {  	_ =	shalt  }
0x49: {  	_ =	shalt  }
0x4a: {  	_ =	shalt  }
0x4b: {  	_ =	shalt  }
0x4c: {  	_ =	shalt  }
0x4d: {  	_ =	shalt  }
0x4e: {  	_ =	shalt  }
0x4f: {  	_ =	shalt  }
0x50: {  	_ =	shalt  }
0x51: {  	_ =	shalt  }
0x52: {  	_ =	shalt  }
0x53: {  	_ =	shalt  }
0x54: {  	_ =	shalt  }
0x55: {  	_ =	shalt  }
0x56: {  	_ =	shalt  }
0x57: {  	_ =	shalt  }
0x58: {  	_ =	shalt  }
0x59: {  	_ =	shalt  }
0x5a: {  	_ =	shalt  }
0x5b: {  	_ =	shalt  }
0x5c: {  	_ =	shalt  }
0x5d: {  	_ =	shalt  }
0x5e: {  	_ =	shalt  }
0x5f: {  	_ =	shalt  }
0x60: {  	_ =	shalt  }
0x61: {  	_ =	shalt  }
0x62: {  	_ =	shalt  }
0x63: {  	_ =	shalt  }
0x64: {  	_ =	shalt  }
0x65: {  	_ =	shalt  }
0x66: {  	_ =	shalt  }
0x67: {  	_ =	shalt  }
0x68: {  	_ =	shalt  }
0x69: {  	_ =	shalt  }
0x6a: {  	_ =	shalt  }
0x6b: {  	_ =	shalt  }
0x6c: {  	_ =	shalt  }
0x6d: {  	_ =	shalt  }
0x6e: {  	_ =	shalt  }
0x6f: {  	_ =	shalt  }
0x70: {  	_ =	shalt  }
0x71: {  	_ =	shalt  }
0x72: {  	_ =	shalt  }
0x73: {  	_ =	shalt  }
0x74: {  	_ =	shalt  }
0x75: {  	_ =	shalt  }
0x76: {  	_ =	shalt  }
0x77: {  	_ =	shalt  }
0x78: {  	_ =	shalt  }
0x79: {  	_ =	shalt  }
0x7a: {  	_ =	shalt  }
0x7b: {  	_ =	shalt  }
0x7c: {  	_ =	shalt  }
0x7d: {  	_ =	shalt  }
0x7e: {  	_ =	shalt  }
0x7f: {  	_ =	shalt  }
0x80: {  	_ =	shalt  }
0x81: {  	_ =	shalt  }
0x82: {  	_ =	shalt  }
0x83: {  	_ =	shalt  }
0x84: {  	_ =	shalt  }
0x85: {  	_ =	shalt  }
0x86: {  	_ =	shalt  }
0x87: {  	_ =	shalt  }
.Lfunc_end0:
.L_simem_size_0:
called_computation.2_lowered:
.L_overlay_start_0:
0x88: {  	s2 =	sld [smem:$0x3FD9]  }
0x89: {  	s3 =	sld [smem:$0x3FFE];
	_ =	sdelay $0x1  }
0x8a: {  	s1 =	srdreg.scid  }
0x8b: {  	s0 =	sand.u32 $0x1, s1  }
0x8c: {  	s16 =	sshll.u32 s0, $0xA;
	s2 =	sadd.s32 s3, s2  }
0x8d: {  	s2 =	sadd.s32 s2, s16  }
0x8e: {  	[smem:$0x3FAF] =	sst s2  }
0x8f: {  	_ = 	snop  }
0x90: {  	(tm) =	ssettm $0x1  }
0x91: {  	s17 =	sld [smem:$0x3FFB];
	_ =	sdelay $0x3  }
0x92: {  	_ =	strace s17  }
0x93: {  	s2 =	sld [smem:$0x3FFC];
	_ =	sdelay $0x3  }
0x94: {  	_ =	strace s2  }
0x95: {  	s2 =	sld [smem:$0x3FFD];
	_ =	sdelay $0x3  }
0x96: {  	_ =	strace s2  }
0x97: {  	_ =	strace $0x8FFFFFFF  }
0x98: {  	s18 =	sld [smem:$0x3FDB];
	_ =	sdelay $0x1  }
0x99: {  	s19 =	simm.s32 $_scs_section_size  }
0x9a: {  	s4 =	simm.s32 $_size__tile_overlayer_lowered;
	s5 =	simm.s32 $_tile_overlayer_lowered  }
0x9b: {  	s22 =	simm.s32 $0x1BFF;
	s21 =	sshll.u32 s5, $0x1;
	s2 =	sadd.s32 s19, s18  }
0x9c: {  	s6 =	simm.s32 $0x0;
	s20 =	sshll.u32 s4, $0x1;
	s4 =	sadd.s32 s21, s2  }
0x9d: {  	[timem:s6], [sflag:s22] =	dma.local [hbm:s4], s20  }
0x9e: {  	_ =	swait.ge [sflag:s22], s20  }
0x9f: {  	s3 =	ssub.s32 $0x0, s20;
	[sflag:s22] =	ssyncset.done $0x0  }
0xa0: {  	[sflag:s22] =	ssyncadd.s32 s3;
	_ =	sdelay $0x1  }
0xa1: {  	s23 =	simm.s32 $0x1B8B  }
0xa2: {  	_ =	swait.ge [sflag:s23], $0x1  }
0xa3: {  	[sflag:s23] =	ssyncset.done $0x0  }
0xa4: {  	s25 =	simm.s32 $0x1B8E;
	s24 =	sld [smem:$0x3FFE];
	[sflag:s23] =	ssyncadd.s32 $0xFFFFFFFF  }
0xa5: {  	s26 =	simm.s32 $execute0_lowered;
	[smem:$0x3FD2] =	sst s25  }
0xa6: {  	s4 =	sshll.u32 s26, $0x1;
	_ =	strace $0x8000004C;
	[dreg:$0x1] =	wrdreg $0xFFFFFFFF  }
0xa7: {  	s28 =	simm.s32 $_size_execute0_lowered;
	s2 =	sadd.s32 s2, s4;
	[dreg:$0x0] =	wrdreg $0x0  }
0xa8: {  	s4 =	sshll.u32 s28, $0x1;
	[dreg:$0x2] =	wrdreg s2  }
0xa9: {  	[dreg:$0x3] =	wrdreg s4  }
0xaa: {  	[dreg:$0x4] =	wrdreg $0xC0  }
0xab: {  	_ =	task [dreg:s6], $0x5FFFF  }
0xac: {  	[dreg:$0x1] =	wrdreg $0xFFFFFFFF  }
0xad: {  	[dreg:$0x0] =	wrdreg $0x60  }
0xae: {  	[dreg:$0x2] =	wrdreg s24  }
0xaf: {  	[dreg:$0x3] =	wrdreg $0xAA000  }
0xb0: {  	[dreg:$0x4] =	wrdreg $0x9  }
0xb1: {  	_ =	task.clear_ibuf [dreg:s6], $0x5FFFF;
	_ =	strace $0x9000004C  }
0xb2: {  	s29 =	simm.s32 $0x9;
	_ =	strace $0x8000004E  }
0xb3: {  	_ =	swait.ge [sflag:s29], $0x1  }
0xb4: {  	[sflag:s29] =	ssyncadd.s32 $0xFFFFFFFF  }
0xb5: {  	_ =	strace $0x9000004E  }
0xb6: {  	_ =	sfence  }
0xb7: {  	s30 =	sld [smem:$0x0];
	_ =	sdelay $0x2  }
0xb8: {  	s31 =	sshll.u32 s1, $0xD;
	s1 =	sshrl.u32 s1, $0x2  }
0xb9: {  	s3 =	sand.u32 $0x4000, s31;
	s1 =	sadd.s32 s1, s30  }
0xba: {  	s0 =	sor.u32 s3, s0;
	s1 =	sshll.u32 s1, $0x11  }
0xbb: {  	s0 =	sor.u32 s1, s0  }
0xbc: {  	s0 =	sadd.s32 $0x8F2B, s0  }
0xbd: {  	[sflag:s0] =	ssyncadd.remote.s32 $0x1  }
0xbe: {  	_ =	sfence.sel $0xFFFF  }
0xbf: {  	[dreg:$0x0] =	wrdreg $0xFFFFFFFF;
	(pc) =	sbr.abs _section_cstart, $3  }
0xc0: {  	[dreg:$0x1] =	wrdreg $0xFFFFFFFF  }
0xc1: {  	_ =	task.clear_ibuf [dreg:s6], $0x2FFFF;
	_ =	strace $0x9FFFFFFF  }
0xc2: {  	(tm) =	ssettm $0x7FFFFFFF  }
0xc3: {  	_ =	shalt  }
tec
execute0_lowered:
.L_overlay_start_1:
0x0: {  	(tag) =	ssettag $0x1  }
0x1: {  	s7 =	rddreg [dreg:$0x0]  }
0x2: {  	s0 =	srdreg.scid;
	s2 =	rddreg [dreg:$0x1]  }
0x3: {  	s3 =	simm.s32 $0x0;
	s17 =	simm.s32 $0x2A00;
	s18 =	simm.s32 $0x1  }
0x4: {  	s19 =	simm.s32 $0x2900;
	s5 =	sand.u32 $0x1, s0;
	s0 =	stileid.u32  }
0x5: {  	s20 =	simm.s32 $0x6A00;
	s21 =	simm.s32 $0x2880;
	s8 =	smul.u32 $0x2780, s0  }
0x6: {  	s22 =	simm.s32 $0x2980;
	[smem:$0x7FF] =	sst s3;
	s9 =	smul.u32 $0x4F000, s0  }
0x7: {  	s11 =	sadd.s32 $0x5D400, s7;
	s15 =	sadd.s32 $0x13C000, s2;
	s25 =	smul.u32 $0x138800, s5  }
0x8: {  	s1 =	sshll.u32 s5, $0x4;
	s24 =	ssub.s32 $0x2, s5;
	s14 =	smul.u32 $0x13800, s0  }
0x9: {  	s26 =	sshll.u32 s0, $0x6;
	s16 =	smul.u32 $0x4E000, s0;
	p0 =	sne.s32 s0, $0xF  }
0xa: {  	s4 =	sor.u32 s0, s1;
	s1 =	rddreg [dreg:$0x2];
	_ =	strace $0x8000004D  }
0xb: {  	s12 =	sshrl.u32 s24, $0x1;
	s6 =	smul.u32 $0x500, s4;
	s4 =	sadd.s32 $0xE800, s7  }
0xc: {  	s23 =	sadd.s32 s8, s7;
	s9 =	sshrl.u32 s9, $0x2;
	s12 =	ssub.s32 s24, s12  }
0xd: {  	s28 =	sadd.s32 s14, s25;
	s29 =	sshrl.u32 s16, $0x2;
	s30 =	sshrl.u32 s25, $0x3  }
0xe: {  	s24 =	sadd.s32 $0x138000, s2;
	s14 =	sshrl.u32 @!p0 s15, $0x3;
	s15 =	simm.s32 $0x80  }
0xf: {  	s16 =	simm.s32 $0x2800;
	s25 =	simm.s32 $0x0;
	s13 =	sadd.s32 s9, s2  }
0x10: {  	s5 =	sadd.s32 $0x35A00, s23;
	s23 =	sadd.s32 s29, s2;
	s31 =	sadd.s32 s11, s30  }
0x11: {  	s24 =	sshrl.u32 @!p0 s24, $0x3;
	s10 =	sadd.s32 s6, s7;
	s6 =	sor.u32 $0x1C02, s26  }
0x12: {  	s7 =	sadd.s32 $0x5D200, s7;
	s8 =	sadd.s32 $0x4800, s10;
	s10 =	sshrl.u32 s28, $0x3  }
0x13: {  	s23 =	sshrl.u32 s23, $0x3;
	s9 =	sadd.s32 s11, s10;
	s10 =	sadd.s32 $0x27000, s31  }
0x14: {  	s11 =	smax.u32 s12, $0x1;
	s12 =	sshrl.u32 s13, $0x3;
	s13 =	simm.s32 $0x2  }
.LBB2_1:
0x15: {  	[spmem:s12], [sflag:s6] =	dma.local [hbm:s5], $0x2780  }
0x16: {  	_ =	swait.ge [sflag:s13], $0x2780  }
0x17: {  	[sflag:s13] =	ssyncset.done $0x0  }
0x18: {  	s26 =	simm.s32 @!p0 $0x2;
	[sflag:s13] =	ssyncadd.s32 $0xFFFFD880  }
0x19: {  	[spmem:s14], [sflag:s6] =	dma.local @!p0 [hbm:s7], $0x100  }
0x1a: {  	_ =	swait.ge @!p0 [sflag:s26], $0x100  }
0x1b: {  	[sflag:s26] =	ssyncset.done @!p0 $0x0  }
0x1c: {  	[sflag:s26] =	ssyncadd.s32 @!p0 $0xFFFFFF00  }
0x1d: {  	[tilespmem:s3], [sflag:$0x2] =	stream.linear.gather [hbm4b:s8+s3], $0x2800, $0x38;
	[tilespmem:$0x1E680] =	vst v63  }
0x1e: {  	_ =	swait.ge [sflag:s13], $0x2800  }
0x1f: {  	[sflag:s13] =	ssyncset.done $0x0  }
0x20: {  	[sflag:s13] =	ssyncadd.s32 $0xFFFFD800  }
0x21: {  	[bflag:$0x0] =	sbarrier.arrive $0xFFFF  }
0x22: {  	v0 =	vld [tilespmem:$0x0];
	_ =	sdelay $0x1  }
0x23: {  	v1 =	vld [tilespmem:$0x10];
	_ =	sdelay $0x1  }
0x24: {  	v2 =	vld [tilespmem:$0x20]  }
0x25: {  	v3 =	vand.u32 $0x3FFF, v0  }
0x26: {  	v29 =	vld [tilespmem:$0x30];
	v0 =	vshrl.u32 v0, $0xE;
	[tilespmem:$0x2800] =	vst v3  }
0x27: {  	v30 =	vand.u32 $0x3FFF, v1;
	[tilespmem:$0x2880] =	vst v0  }
0x28: {  	v32 =	vld [tilespmem:$0x40];
	v31 =	vshrl.u32 v1, $0xE;
	[tilespmem:$0x2810] =	vst v30  }
0x29: {  	v33 =	vand.u32 $0x3FFF, v2;
	[tilespmem:$0x2890] =	vst v31  }
0x2a: {  	v35 =	vld [tilespmem:$0x50];
	v34 =	vshrl.u32 v2, $0xE;
	[tilespmem:$0x2820] =	vst v33  }
0x2b: {  	v36 =	vand.u32 $0x3FFF, v29;
	[tilespmem:$0x28A0] =	vst v34  }
0x2c: {  	v38 =	vld [tilespmem:$0x60];
	v37 =	vshrl.u32 v29, $0xE;
	[tilespmem:$0x2830] =	vst v36  }
0x2d: {  	v39 =	vand.u32 $0x3FFF, v32;
	[tilespmem:$0x28B0] =	vst v37  }
0x2e: {  	v41 =	vld [tilespmem:$0x70];
	v40 =	vshrl.u32 v32, $0xE;
	[tilespmem:$0x2840] =	vst v39  }
0x2f: {  	v42 =	vand.u32 $0x3FFF, v35;
	[tilespmem:$0x28C0] =	vst v40  }
0x30: {  	v43 =	vshrl.u32 v35, $0xE;
	[tilespmem:$0x2850] =	vst v42  }
0x31: {  	v44 =	vand.u32 $0x3FFF, v38;
	[tilespmem:$0x28D0] =	vst v43  }
0x32: {  	v45 =	vshrl.u32 v38, $0xE;
	[tilespmem:$0x2860] =	vst v44  }
0x33: {  	v46 =	vand.u32 $0x3FFF, v41;
	[tilespmem:$0x28E0] =	vst v45  }
0x34: {  	v47 =	vshrl.u32 v41, $0xE;
	[tilespmem:$0x2870] =	vst v46  }
0x35: {  	s26 =	simm.s32 $0xF0;
	[tilespmem:$0x28F0] =	vst v47  }
0x36: {  	[tilespmem:s17], [sflag:$0x1] =	stream.indirect.gather [hbm4b:s4+s15], $0x80, s16, s15, $0xb8;
	[tilespmem:$0x1E680] =	vst v63  }
0x37: {  	v0 =	vld [tilespmem:s26+$0xFFFFFF90];
	_ =	sdelay $0x4  }
0x38: {  	v48 =	vand.u32 $0x3FFF, v0  }
0x39: {  	v0 =	vshrl.u32 v0, $0xE;
	[tilespmem:$0x2900] =	vst v48  }
0x3a: {  	[tilespmem:$0x2980] =	vst v0  }
0x3b: {  	v0 =	vld [tilespmem:s26+$0xFFFFFFA0];
	_ =	sdelay $0x4  }
0x3c: {  	v49 =	vand.u32 $0x3FFF, v0  }
0x3d: {  	v0 =	vshrl.u32 v0, $0xE;
	[tilespmem:$0x2910] =	vst v49  }
0x3e: {  	[tilespmem:$0x2990] =	vst v0  }
0x3f: {  	v0 =	vld [tilespmem:s26+$0xFFFFFFB0];
	_ =	sdelay $0x4  }
0x40: {  	v50 =	vand.u32 $0x3FFF, v0  }
0x41: {  	v0 =	vshrl.u32 v0, $0xE;
	[tilespmem:$0x2920] =	vst v50  }
0x42: {  	[tilespmem:$0x29A0] =	vst v0  }
0x43: {  	v0 =	vld [tilespmem:s26+$0xFFFFFFC0];
	_ =	sdelay $0x4  }
0x44: {  	v51 =	vand.u32 $0x3FFF, v0  }
0x45: {  	v0 =	vshrl.u32 v0, $0xE;
	[tilespmem:$0x2930] =	vst v51  }
0x46: {  	[tilespmem:$0x29B0] =	vst v0  }
0x47: {  	v0 =	vld [tilespmem:s26+$0xFFFFFFD0];
	_ =	sdelay $0x4  }
0x48: {  	v52 =	vand.u32 $0x3FFF, v0  }
0x49: {  	v0 =	vshrl.u32 v0, $0xE;
	[tilespmem:$0x2940] =	vst v52  }
0x4a: {  	[tilespmem:$0x29C0] =	vst v0  }
0x4b: {  	v0 =	vld [tilespmem:s26+$0xFFFFFFE0];
	_ =	sdelay $0x4  }
0x4c: {  	v53 =	vand.u32 $0x3FFF, v0  }
0x4d: {  	v0 =	vshrl.u32 v0, $0xE;
	[tilespmem:$0x2950] =	vst v53  }
0x4e: {  	[tilespmem:$0x29D0] =	vst v0  }
0x4f: {  	v0 =	vld [tilespmem:s26+$0xFFFFFFF0];
	_ =	sdelay $0x4  }
0x50: {  	v54 =	vand.u32 $0x3FFF, v0  }
0x51: {  	v0 =	vshrl.u32 v0, $0xE;
	[tilespmem:$0x2960] =	vst v54  }
0x52: {  	[tilespmem:$0x29E0] =	vst v0  }
0x53: {  	v0 =	vld [tilespmem:s26+$0x0];
	_ =	sdelay $0x4  }
0x54: {  	v55 =	vand.u32 $0x3FFF, v0  }
0x55: {  	v0 =	vshrl.u32 v0, $0xE;
	[tilespmem:$0x2970] =	vst v55  }
0x56: {  	[tilespmem:$0x29F0] =	vst v0  }
0x57: {  	_ =	swait.ge [sflag:s18], $0x4000  }
0x58: {  	[sflag:s18] =	ssyncset.done $0x0  }
0x59: {  	[sflag:s18] =	ssyncadd.s32 $0xFFFFC000  }
0x5a: {  	[tilespmem:s20], [sflag:$0x1] =	stream.indirect.gather [hbm4b:s4+s15], $0x80, s19, s15, $0xb8;
	[tilespmem:$0x1E680] =	vst v63  }
0x5b: {  	p1 =	por $0x1, $0x1;
	s28 =	simm.s32 $0x0  }
0x5c: {  	[spmem:s2] =	stream.indirect.scatter.add.f32 [tilespmem:s17], [sflag:$0x2], $0x80, s21, s15, $0xb8;
	[tilespmem:$0x1E680] =	vst v63  }
0x5d: {  	s28 =	simm.s32 @!p1 $0x4D;
	_ =	swait.ge [sflag:s13], $0x4000  }
0x5e: {  	s28 =	sshll.u32 s28, $0x7;
	[sflag:s13] =	ssyncset.done $0x0  }
0x5f: {  	s29 =	sand.u32 $0x3FFFFF80, s28;
	[sflag:s13] =	ssyncadd.s32 $0xFFFFC000  }
0x60: {  	v56 =	vld [tilespmem:s29+$0x100];
	_ =	sdelay $0x4  }
0x61: {  	v57 =	vand.u32 $0x3FFF, v56  }
0x62: {  	v0 =	vshrl.u32 v56, $0xE;
	[tilespmem:$0x2800] =	vst v57  }
0x63: {  	[tilespmem:$0x2880] =	vst v0  }
0x64: {  	v0 =	vld [tilespmem:s29+$0x110];
	_ =	sdelay $0x4  }
0x65: {  	v58 =	vand.u32 $0x3FFF, v0  }
0x66: {  	v0 =	vshrl.u32 v0, $0xE;
	[tilespmem:$0x2810] =	vst v58  }
0x67: {  	[tilespmem:$0x2890] =	vst v0  }
0x68: {  	v0 =	vld [tilespmem:s29+$0x120];
	_ =	sdelay $0x4  }
0x69: {  	v59 =	vand.u32 $0x3FFF, v0  }
0x6a: {  	v0 =	vshrl.u32 v0, $0xE;
	[tilespmem:$0x2820] =	vst v59  }
0x6b: {  	[tilespmem:$0x28A0] =	vst v0  }
0x6c: {  	v0 =	vld [tilespmem:s29+$0x130];
	_ =	sdelay $0x4  }
0x6d: {  	v60 =	vand.u32 $0x3FFF, v0  }
0x6e: {  	v0 =	vshrl.u32 v0, $0xE;
	[tilespmem:$0x2830] =	vst v60  }
0x6f: {  	[tilespmem:$0x28B0] =	vst v0  }
0x70: {  	v0 =	vld [tilespmem:s29+$0x140];
	_ =	sdelay $0x4  }
0x71: {  	v61 =	vand.u32 $0x3FFF, v0  }
0x72: {  	v0 =	vshrl.u32 v0, $0xE;
	[tilespmem:$0x2840] =	vst v61  }
0x73: {  	[tilespmem:$0x28C0] =	vst v0  }
0x74: {  	v0 =	vld [tilespmem:s29+$0x150];
	_ =	sdelay $0x4  }
0x75: {  	v62 =	vand.u32 $0x3FFF, v0  }
0x76: {  	v0 =	vshrl.u32 v0, $0xE;
	[tilespmem:$0x2850] =	vst v62  }
0x77: {  	[tilespmem:$0x28D0] =	vst v0  }
0x78: {  	v0 =	vld [tilespmem:s29+$0x160];
	_ =	sdelay $0x4  }
0x79: {  	v63 =	vand.u32 $0x3FFF, v0  }
0x7a: {  	v0 =	vshrl.u32 v0, $0xE;
	[tilespmem:$0x2860] =	vst v63  }
0x7b: {  	s28 =	simm.s32 $0x2;
	[tilespmem:$0x28E0] =	vst v0  }
.LBB2_2:
0x7c: {  	p1 =	sne.s32 s28, $0x4E  }
0x7d: {  	v0 =	vld [tilespmem:s29+$0x170];
	s26 =	sadd.s32 $0x100, s26;
	s29 =	smov.u32 s28;
	s28 =	sadd.s32 $0x2, s28  }
0x7e: {  	_ =	sdelay $0x3  }
0x7f: {  	v1 =	vand.u32 $0x3FFF, v0;
	v0 =	vshrl.u32 v0, $0xE  }
0x80: {  	[tilespmem:$0x2870] =	vst v1  }
0x81: {  	[tilespmem:$0x28F0] =	vst v0  }
0x82: {  	_ =	swait.ge [sflag:s18], $0x4000  }
0x83: {  	[sflag:s18] =	ssyncset.done $0x0  }
0x84: {  	[sflag:s18] =	ssyncadd.s32 $0xFFFFC000  }
0x85: {  	[tilespmem:s17], [sflag:$0x1] =	stream.indirect.gather [hbm4b:s4+s15], $0x80, s16, s15, $0xb8;
	[tilespmem:$0x1E680] =	vst v63  }
0x86: {  	_ = 	snop  }
0x87: {  	[spmem:s2] =	stream.indirect.scatter.add.f32 [tilespmem:s20], [sflag:$0x2], $0x80, s22, s15, $0xb8;
	[tilespmem:$0x1E680] =	vst v63  }
0x88: {  	_ =	swait.ge [sflag:s13], $0x4000  }
0x89: {  	[sflag:s13] =	ssyncset.done $0x0  }
0x8a: {  	[sflag:s13] =	ssyncadd.s32 $0xFFFFC000  }
0x8b: {  	v0 =	vld [tilespmem:s26+$0xFFFFFF90];
	_ =	sdelay $0x4  }
0x8c: {  	v1 =	vand.u32 $0x3FFF, v0;
	v0 =	vshrl.u32 v0, $0xE  }
0x8d: {  	[tilespmem:$0x2900] =	vst v1  }
0x8e: {  	[tilespmem:$0x2980] =	vst v0  }
0x8f: {  	v0 =	vld [tilespmem:s26+$0xFFFFFFA0];
	_ =	sdelay $0x4  }
0x90: {  	v1 =	vand.u32 $0x3FFF, v0;
	v0 =	vshrl.u32 v0, $0xE  }
0x91: {  	[tilespmem:$0x2910] =	vst v1  }
0x92: {  	[tilespmem:$0x2990] =	vst v0  }
0x93: {  	v0 =	vld [tilespmem:s26+$0xFFFFFFB0];
	_ =	sdelay $0x4  }
0x94: {  	v1 =	vand.u32 $0x3FFF, v0;
	v0 =	vshrl.u32 v0, $0xE  }
0x95: {  	[tilespmem:$0x2920] =	vst v1  }
0x96: {  	[tilespmem:$0x29A0] =	vst v0  }
0x97: {  	v0 =	vld [tilespmem:s26+$0xFFFFFFC0];
	_ =	sdelay $0x4  }
0x98: {  	v1 =	vand.u32 $0x3FFF, v0;
	v0 =	vshrl.u32 v0, $0xE  }
0x99: {  	[tilespmem:$0x2930] =	vst v1  }
0x9a: {  	[tilespmem:$0x29B0] =	vst v0  }
0x9b: {  	v0 =	vld [tilespmem:s26+$0xFFFFFFD0];
	_ =	sdelay $0x4  }
0x9c: {  	v1 =	vand.u32 $0x3FFF, v0;
	v0 =	vshrl.u32 v0, $0xE  }
0x9d: {  	[tilespmem:$0x2940] =	vst v1  }
0x9e: {  	[tilespmem:$0x29C0] =	vst v0  }
0x9f: {  	v0 =	vld [tilespmem:s26+$0xFFFFFFE0];
	_ =	sdelay $0x4  }
0xa0: {  	v1 =	vand.u32 $0x3FFF, v0;
	v0 =	vshrl.u32 v0, $0xE  }
0xa1: {  	[tilespmem:$0x2950] =	vst v1  }
0xa2: {  	[tilespmem:$0x29D0] =	vst v0  }
0xa3: {  	v0 =	vld [tilespmem:s26+$0xFFFFFFF0];
	_ =	sdelay $0x4  }
0xa4: {  	v1 =	vand.u32 $0x3FFF, v0;
	v0 =	vshrl.u32 v0, $0xE  }
0xa5: {  	[tilespmem:$0x2960] =	vst v1  }
0xa6: {  	[tilespmem:$0x29E0] =	vst v0  }
0xa7: {  	v0 =	vld [tilespmem:s26+$0x0];
	_ =	sdelay $0x4  }
0xa8: {  	p2 =	slt.s32 s29, $0x4D;
	v1 =	vand.u32 $0x3FFF, v0;
	v0 =	vshrl.u32 v0, $0xE  }
0xa9: {  	s29 =	simm.s32 @!p2 $0x4D;
	[tilespmem:$0x2970] =	vst v1  }
0xaa: {  	s29 =	sshll.u32 s29, $0x7;
	[tilespmem:$0x29F0] =	vst v0  }
0xab: {  	s29 =	sand.u32 $0x3FFFFF80, s29;
	_ =	swait.ge [sflag:s18], $0x4000  }
0xac: {  	[sflag:s18] =	ssyncset.done $0x0  }
0xad: {  	[sflag:s18] =	ssyncadd.s32 $0xFFFFC000  }
0xae: {  	[tilespmem:s20], [sflag:$0x1] =	stream.indirect.gather [hbm4b:s4+s15], $0x80, s19, s15, $0xb8;
	[tilespmem:$0x1E680] =	vst v63  }
0xaf: {  	_ = 	snop  }
0xb0: {  	[spmem:s2] =	stream.indirect.scatter.add.f32 [tilespmem:s17], [sflag:$0x2], $0x80, s21, s15, $0xb8;
	[tilespmem:$0x1E680] =	vst v63  }
0xb1: {  	_ =	swait.ge [sflag:s13], $0x4000  }
0xb2: {  	[sflag:s13] =	ssyncset.done $0x0  }
0xb3: {  	[sflag:s13] =	ssyncadd.s32 $0xFFFFC000  }
0xb4: {  	v0 =	vld [tilespmem:s29+$0x100];
	_ =	sdelay $0x4  }
0xb5: {  	v1 =	vand.u32 $0x3FFF, v0;
	v0 =	vshrl.u32 v0, $0xE  }
0xb6: {  	[tilespmem:$0x2800] =	vst v1  }
0xb7: {  	[tilespmem:$0x2880] =	vst v0  }
0xb8: {  	v0 =	vld [tilespmem:s29+$0x110];
	_ =	sdelay $0x4  }
0xb9: {  	v1 =	vand.u32 $0x3FFF, v0;
	v0 =	vshrl.u32 v0, $0xE  }
0xba: {  	[tilespmem:$0x2810] =	vst v1  }
0xbb: {  	[tilespmem:$0x2890] =	vst v0  }
0xbc: {  	v0 =	vld [tilespmem:s29+$0x120];
	_ =	sdelay $0x4  }
0xbd: {  	v1 =	vand.u32 $0x3FFF, v0;
	v0 =	vshrl.u32 v0, $0xE  }
0xbe: {  	[tilespmem:$0x2820] =	vst v1  }
0xbf: {  	[tilespmem:$0x28A0] =	vst v0  }
0xc0: {  	v0 =	vld [tilespmem:s29+$0x130];
	_ =	sdelay $0x4  }
0xc1: {  	v1 =	vand.u32 $0x3FFF, v0;
	v0 =	vshrl.u32 v0, $0xE  }
0xc2: {  	[tilespmem:$0x2830] =	vst v1  }
0xc3: {  	[tilespmem:$0x28B0] =	vst v0  }
0xc4: {  	v0 =	vld [tilespmem:s29+$0x140];
	_ =	sdelay $0x4  }
0xc5: {  	v1 =	vand.u32 $0x3FFF, v0;
	v0 =	vshrl.u32 v0, $0xE  }
0xc6: {  	[tilespmem:$0x2840] =	vst v1  }
0xc7: {  	[tilespmem:$0x28C0] =	vst v0  }
0xc8: {  	v0 =	vld [tilespmem:s29+$0x150];
	_ =	sdelay $0x4  }
0xc9: {  	v1 =	vand.u32 $0x3FFF, v0;
	v0 =	vshrl.u32 v0, $0xE  }
0xca: {  	[tilespmem:$0x2850] =	vst v1  }
0xcb: {  	[tilespmem:$0x28D0] =	vst v0  }
0xcc: {  	v0 =	vld [tilespmem:s29+$0x160];
	_ =	sdelay $0x2  }
.Ltmp0:
0xcd: {  	(pc) =	sbr.rel @p1 .LBB2_2-.Ltmp0, $4  }
0xce: {  	_ = 	snop  }
0xcf: {  	v1 =	vand.u32 $0x3FFF, v0;
	v0 =	vshrl.u32 v0, $0xE  }
0xd0: {  	[tilespmem:$0x2860] =	vst v1  }
0xd1: {  	[tilespmem:$0x28E0] =	vst v0  }
0xd2: {  	v0 =	vld [tilespmem:s29+$0x170];
	_ =	sdelay $0x4  }
0xd3: {  	v1 =	vand.u32 $0x3FFF, v0  }
0xd4: {  	v0 =	vshrl.u32 v0, $0xE;
	[tilespmem:$0x2870] =	vst v1  }
0xd5: {  	[tilespmem:$0x28F0] =	vst v0  }
0xd6: {  	_ =	swait.ge [sflag:s18], $0x4000  }
0xd7: {  	[sflag:s18] =	ssyncset.done $0x0  }
0xd8: {  	[sflag:s18] =	ssyncadd.s32 $0xFFFFC000  }
0xd9: {  	[tilespmem:s17], [sflag:$0x1] =	stream.indirect.gather [hbm4b:s4+s15], $0x80, s16, s15, $0xb8;
	[tilespmem:$0x1E680] =	vst v63  }
0xda: {  	_ = 	snop  }
0xdb: {  	[spmem:s2] =	stream.indirect.scatter.add.f32 [tilespmem:s20], [sflag:$0x2], $0x80, s22, s15, $0xb8;
	[tilespmem:$0x1E680] =	vst v63  }
0xdc: {  	_ =	swait.ge [sflag:s13], $0x4000  }
0xdd: {  	[sflag:s13] =	ssyncset.done $0x0  }
0xde: {  	[sflag:s13] =	ssyncadd.s32 $0xFFFFC000  }
0xdf: {  	_ =	swait.ge [sflag:s18], $0x4000  }
0xe0: {  	[sflag:s18] =	ssyncset.done $0x0  }
0xe1: {  	[sflag:s18] =	ssyncadd.s32 $0xFFFFC000  }
0xe2: {  	[bflag:$0x0] =	sbarrier.arrive $0xFFFF  }
0xe3: {  	[hbm:s9], [sflag:s6] =	dma.local [spmem:s23], $0x2700  }
0xe4: {  	s25 =	sadd.s32 $0x1, s25;
	_ =	swait.ge [sflag:s13], $0x2700  }
0xe5: {  	p1 =	sne.s32 s25, s11;
	[sflag:s13] =	ssyncset.done $0x0  }
.Ltmp1:
0xe6: {  	s26 =	simm.s32 @!p0 $0x2;
	[sflag:s13] =	ssyncadd.s32 $0xFFFFD900;
	(pc) =	sbr.rel @p1 .LBB2_1-.Ltmp1, $4  }
0xe7: {  	[hbm:s10], [sflag:s6] =	dma.local @!p0 [spmem:s24], $0x100  }
0xe8: {  	_ =	swait.ge @!p0 [sflag:s26], $0x100  }
0xe9: {  	[sflag:s26] =	ssyncset.done @!p0 $0x0  }
0xea: {  	[sflag:s26] =	ssyncadd.s32 @!p0 $0xFFFFFF00  }
0xeb: {  	_ =	sfence.sel $0x180000  }
0xec: {  	[bflag:$0x0] =	sbarrier.arrive $0xFFFF  }
0xed: {  	p0 =	sne.s32 s0, $0x0;
	_ =	strace $0x9000004D  }
0xee: {  	s0 =	sadd.s32 @!p0 $0x100000, s1;
	[bflag:$0x2] =	sbarrier.arrive $0xFFFF  }
0xef: {  	[sflag:s0] =	ssyncadd.tile.s32 @!p0 $0x1;
	_ =	shalt  }
.Lfunc_end2:
_tile_overlayer_lowered:
.L_overlay_start_2:
0xf0: {  	(tag) =	ssettag $0x2  }
0xf1: {  	s0 =	rddreg [dreg:$0x0];
	s2 =	stileid.u32  }
0xf2: {  	s1 =	rddreg [dreg:$0x1];
	p0 =	sne.s32 s2, $0x0  }
0xf3: {  	s3 =	rddreg [dreg:$0x2];
	[bflag:$0x3] =	sbarrier.arrive $0xFFFF;
	s2 =	simm.s32 @!p0 $0x1C02  }
0xf4: {  	[timem:s3], [sflag:s2] =	dma.local @!p0 [hbm:s0], s1  }
0xf5: {  	s0 =	simm.s32 @!p0 $0x2  }
0xf6: {  	_ =	swait.ge @!p0 [sflag:s0], s1  }
0xf7: {  	s1 =	ssub.s32 @!p0 $0x0, s1;
	[sflag:s0] =	ssyncset.done @!p0 $0x0  }
0xf8: {  	[sflag:s0] =	ssyncadd.s32 @!p0 s1  }
0xf9: {  	[bflag:$0x3] =	sbarrier.arrive $0xFFFF  }
0xfa: {  	_ =	shalt  }

</sc_bundles>
